<compile_context>
chip_gen: v7x
topology: tpu7x:2x2x1
jax: 0.10.2.dev20260603
libtpu: 0.0.44.dev20260713+nightly
codegen_flags: <defaults>
</compile_context>

<pallas_src>
import functools

import jax
import jax.numpy as jnp
from jax import lax
from jax.experimental import pallas as pl
from jax.experimental.pallas import tpu as pltpu
from jax.experimental.pallas import tpu_sc as plsc

N_ITEMS = 1000000
EMBED_DIM = 32
BATCH = 16384

NUM_CORES = 2
NUM_SUBCORES = 16
NUM_WORKERS = NUM_CORES * NUM_SUBCORES
ROWS_PER_WORKER = BATCH // NUM_WORKERS
GROUP = 16
NUM_GROUPS = ROWS_PER_WORKER // GROUP
LANE_TILE = 128


def _sc_gather_t(indices2d, table_t):
    mesh = plsc.VectorSubcoreMesh(
        core_axis_name="c", subcore_axis_name="s",
        num_cores=NUM_CORES, num_subcores=NUM_SUBCORES)

    @functools.partial(
        pl.kernel,
        out_type=jax.ShapeDtypeStruct((EMBED_DIM, BATCH), jnp.float32),
        mesh=mesh,
        scratch_types=[
            pltpu.VMEM((8, 128), jnp.int32),
            pltpu.VMEM((GROUP, EMBED_DIM, LANE_TILE), jnp.float32),
            pltpu.VMEM((EMBED_DIM, ROWS_PER_WORKER), jnp.float32),
            pltpu.SemaphoreType.DMA,
        ],
        compiler_params=pltpu.CompilerParams(
            use_tc_tiling_on_sc=True, needs_layout_passes=False),
    )
    def gather_kernel(idx_hbm, table_hbm, out_hbm, idx_v, blk_v, out_v, sem):
        wid = lax.axis_index("s") * NUM_CORES + lax.axis_index("c")
        base = wid * ROWS_PER_WORKER
        pltpu.sync_copy(idx_hbm.at[pl.ds((wid // 2) * 8, 8)], idx_v)
        row0 = (wid % 2) * 4
        cvec0 = lax.iota(jnp.int32, 16)
        cvec1 = cvec0 + 16

        def group_body(g, carry):
            idx16 = idx_v[row0 + g // 8, pl.ds((g % 8) * 16, 16)]
            for k in range(GROUP):
                t = pl.multiple_of(
                    (idx16[k] // LANE_TILE) * LANE_TILE, LANE_TILE)
                pltpu.async_copy(
                    table_hbm.at[:, pl.ds(t, LANE_TILE)], blk_v.at[k], sem)
            for k in range(GROUP):
                pltpu.make_async_copy(
                    table_hbm.at[:, pl.ds(0, LANE_TILE)], blk_v.at[k], sem
                ).wait()
            for k in range(GROUP):
                lane = jnp.full((16,), lax.rem(idx16[k], LANE_TILE), jnp.int32)
                ksp = jnp.full((16,), k, jnp.int32)
                bsp = jnp.full((16,), g * GROUP + k, jnp.int32)
                top = plsc.load_gather(blk_v, [ksp, cvec0, lane])
                bot = plsc.load_gather(blk_v, [ksp, cvec1, lane])
                plsc.store_scatter(out_v, [cvec0, bsp], top)
                plsc.store_scatter(out_v, [cvec1, bsp], bot)
            return carry

        lax.fori_loop(0, NUM_GROUPS, group_body, 0)
        pltpu.sync_copy(out_v, out_hbm.at[:, pl.ds(base, ROWS_PER_WORKER)])

    return gather_kernel(indices2d, table_t)


def _tc_mlp_t(x_t, W1, b1, W2, b2):
    BLK = 2048

    def mlp_kernel(x_ref, w1_ref, b1_ref, w2_ref, b2_ref, o_ref):
        dn = (((0,), (0,)), ((), ()))
        h = lax.dot_general(w1_ref[...], x_ref[...], dn,
                            preferred_element_type=jnp.float32) + b1_ref[...]
        o_ref[...] = lax.dot_general(w2_ref[...], h, dn,
                                     preferred_element_type=jnp.float32) + b2_ref[...]

    return pl.pallas_call(
        mlp_kernel,
        grid=(BATCH // BLK,),
        in_specs=[
            pl.BlockSpec((EMBED_DIM, BLK), lambda i: (0, i)),
            pl.BlockSpec((EMBED_DIM, 32), lambda i: (0, 0)),
            pl.BlockSpec((32, 1), lambda i: (0, 0)),
            pl.BlockSpec((32, 32), lambda i: (0, 0)),
            pl.BlockSpec((32, 1), lambda i: (0, 0)),
        ],
        out_specs=pl.BlockSpec((32, BLK), lambda i: (0, i)),
        out_shape=jax.ShapeDtypeStruct((32, BATCH), jnp.float32),
    )(x_t, W1, b1, W2, b2)


def kernel(indices, table, W1, b1, W2, b2):
    idx = indices.astype(jnp.int32).reshape(128, 128)
    x_t = _sc_gather_t(idx, table.T)
    out_t = _tc_mlp_t(x_t, W1, b1.reshape(-1, 1), W2, b2.reshape(-1, 1))
    return out_t.T

# --- scband reference (transcript-rebuilt; emitter-appended) ---
"""Pipeline reference for scband-candidate-model-33062658244760 (READ-ONLY COPY).

The authoritative reference and input builder live on the scoring server;
editing this copy changes nothing except your own understanding.
"""

import jax, jax.numpy as jnp
import numpy as np

N_ITEMS = 1000000
EMBED_DIM = 32
BATCH = 16384
LAYER_SIZES = [32, 32]

def setup_inputs(seed: int = 0) -> dict:
    key = jax.random.key(seed)
    k_idx, k_tab, k_w1, k_b1, k_w2, k_b2 = jax.random.split(key, 6)
    indices = jax.random.randint(k_idx, (BATCH,), 0, N_ITEMS, dtype=jnp.int64 if jax.config.jax_enable_x64 else jnp.int32)
    table = jax.random.normal(k_tab, (N_ITEMS, EMBED_DIM), dtype=jnp.float32) * 0.05
    W1 = jax.random.normal(k_w1, (EMBED_DIM, LAYER_SIZES[0]), dtype=jnp.float32) * (1.0 / np.sqrt(EMBED_DIM))
    b1 = jnp.zeros((LAYER_SIZES[0],), dtype=jnp.float32)
    W2 = jax.random.normal(k_w2, (LAYER_SIZES[0], LAYER_SIZES[1]), dtype=jnp.float32) * (1.0 / np.sqrt(LAYER_SIZES[0]))
    b2 = jnp.zeros((LAYER_SIZES[1],), dtype=jnp.float32)
    return {"indices": indices, "table": table, "W1": W1, "b1": b1, "W2": W2, "b2": b2}

def reference(indices, table, W1, b1, W2, b2):
    # Embedding lookup (gather)
    x = jnp.take(table, indices, axis=0)  # [B, embed_dim]
    # Dense layers (Keras Dense default: linear activation)
    x = x @ W1 + b1
    x = x @ W2 + b2
    return x

if __name__ == "__main__":
    import jax
    _d = setup_inputs()
    print(jax.jit(kernel)(*tuple(_d.values())))

</pallas_src>

<mosaic_0001>
#map = affine_map<(d0, d1) -> (0, 0)>
module attributes {stable_mosaic.version = 14 : i64} {
  func.func @gather_kernel(%arg0: i32, %arg1: i32, %arg2: memref<128x128xi32, #tpu.memory_space<hbm>>, %arg3: memref<32x1000000xf32, #tpu.memory_space<hbm>>, %arg4: memref<32x16384xf32, #tpu.memory_space<hbm>>, %arg5: memref<8x128xi32, #tpu.memory_space<vmem>>, %arg6: memref<16x32x128xf32, #tpu.memory_space<vmem>>, %arg7: memref<32x512xf32, #tpu.memory_space<vmem>>, %arg8: memref<!tpu.dma_semaphore, #tpu.memory_space<semaphore_mem>>) attributes {dimension_semantics = [#tpu.dimension_semantics<core_parallel>, #tpu.dimension_semantics<subcore_parallel>], iteration_bounds = array<i64: 2, 16>, scalar_prefetch = 0 : i64, scratch_operands = 4 : i64, tpu.core_type = #tpu.core_type<sc_vector_subcore>, window_params = [{transform_indices = #map}, {transform_indices = #map}, {transform_indices = #map}]} {
    %mul3A = arith.constant 2 : i32
    %mul3A_0 = arith.muli %arg1, %mul3A : i32
    %add3A = arith.addi %mul3A_0, %arg0 : i32
    %mul3A_1 = arith.constant 512 : i32
    %mul3A_2 = arith.muli %add3A, %mul3A_1 : i32
    %jit3A = arith.constant 2 : i32
    %div3A = arith.divsi %add3A, %jit3A : i32
    %sign3A = arith.constant 0 : i32
    %sign3A_3 = arith.cmpi sgt, %add3A, %sign3A : i32
    %sign3A_4 = arith.extui %sign3A_3 : i1 to i32
    %sign3A_5 = arith.constant 0 : i32
    %sign3A_6 = arith.cmpi slt, %add3A, %sign3A_5 : i32
    %sign3A_7 = arith.extui %sign3A_6 : i1 to i32
    %sign3A_8 = arith.subi %sign3A_4, %sign3A_7 : i32
    %sign3A_9 = arith.constant 0 : i32
    %sign3A_10 = arith.cmpi sgt, %jit3A, %sign3A_9 : i32
    %sign3A_11 = arith.extui %sign3A_10 : i1 to i32
    %sign3A_12 = arith.constant 0 : i32
    %sign3A_13 = arith.cmpi slt, %jit3A, %sign3A_12 : i32
    %sign3A_14 = arith.extui %sign3A_13 : i1 to i32
    %sign3A_15 = arith.subi %sign3A_11, %sign3A_14 : i32
    %ne3A = arith.cmpi ne, %sign3A_8, %sign3A_15 : i32
    %rem3A = arith.remsi %add3A, %jit3A : i32
    %ne3A_16 = arith.constant 0 : i32
    %ne3A_17 = arith.cmpi ne, %rem3A, %ne3A_16 : i32
    %and3A = arith.andi %ne3A, %ne3A_17 : i1
    %sub3A = arith.constant 1 : i32
    %sub3A_18 = arith.subi %div3A, %sub3A : i32
    %select_n3A = arith.select %and3A, %sub3A_18, %div3A : i32
    %mul3A_19 = arith.constant 8 : i32
    %mul3A_20 = arith.muli %select_n3A, %mul3A_19 : i32
    "tpu.region"() ({
      %run_scoped3A = tpu.sem_alloc : memref<!tpu.dma_semaphore, #tpu.memory_space<semaphore_mem>>
      %dma_start3A = arith.constant 0 : i32
      %dma_start3A_45 = tpu.memref_slice %arg2[%mul3A_20, %dma_start3A] : memref<128x128xi32, #tpu.memory_space<hbm>> -> memref<8x128xi32, #tpu.memory_space<hbm>>
      %dma_start3A_46 = arith.constant 0 : i32
      %dma_start3A_47 = tpu.memref_slice %arg2[%mul3A_20, %dma_start3A_46] : memref<128x128xi32, #tpu.memory_space<hbm>> -> memref<8x128xi32, #tpu.memory_space<hbm>>
      tpu.enqueue_dma source(%dma_start3A_47 : memref<8x128xi32, #tpu.memory_space<hbm>>) target(%arg5 : memref<8x128xi32, #tpu.memory_space<vmem>>) target_semaphore(%run_scoped3A : memref<!tpu.dma_semaphore, #tpu.memory_space<semaphore_mem>>)
      %dma_wait3A = arith.constant 0 : i32
      %dma_wait3A_48 = tpu.memref_slice %arg2[%mul3A_20, %dma_wait3A] : memref<128x128xi32, #tpu.memory_space<hbm>> -> memref<8x128xi32, #tpu.memory_space<hbm>>
      %dma_wait3A_49 = arith.constant 0 : i32
      %dma_wait3A_50 = tpu.memref_slice %arg2[%mul3A_20, %dma_wait3A_49] : memref<128x128xi32, #tpu.memory_space<hbm>> -> memref<8x128xi32, #tpu.memory_space<hbm>>
      tpu.wait_dma2 semaphore(%run_scoped3A : memref<!tpu.dma_semaphore, #tpu.memory_space<semaphore_mem>>) src(%dma_wait3A_50 : memref<8x128xi32, #tpu.memory_space<hbm>>) dst(%arg5 : memref<8x128xi32, #tpu.memory_space<vmem>>)
      tpu.yield
    }) : () -> ()
    %jit3A_21 = arith.constant 2 : i32
    %eq3A = arith.constant 0 : i32
    %eq3A_22 = arith.cmpi eq, %jit3A_21, %eq3A : i32
    %jit3A_23 = arith.constant 1 : i32
    %select_n3A_24 = arith.select %eq3A_22, %jit3A_23, %jit3A_21 : i32
    %rem3A_25 = arith.remsi %add3A, %select_n3A_24 : i32
    %ne3A_26 = arith.constant 0 : i32
    %ne3A_27 = arith.cmpi ne, %rem3A_25, %ne3A_26 : i32
    %lt3A = arith.constant 0 : i32
    %lt3A_28 = arith.cmpi slt, %rem3A_25, %lt3A : i32
    %lt3A_29 = arith.constant 0 : i32
    %lt3A_30 = arith.cmpi slt, %select_n3A_24, %lt3A_29 : i32
    %ne3A_31 = arith.xori %lt3A_28, %lt3A_30 : i1
    %and3A_32 = arith.andi %ne3A_31, %ne3A_27 : i1
    %add3A_33 = arith.addi %rem3A_25, %select_n3A_24 : i32
    %select_n3A_34 = arith.select %and3A_32, %add3A_33, %rem3A_25 : i32
    %mul3A_35 = arith.constant 4 : i32
    %mul3A_36 = arith.muli %select_n3A_34, %mul3A_35 : i32
    %iota3A = tpu.iota {dimensions = array<i32: 0>} : vector<16xi32>
    %add3A_37 = arith.constant 16 : i32
    %add3A_38 = vector.broadcast %add3A_37 : i32 to vector<16xi32>
    %add3A_39 = arith.addi %iota3A, %add3A_38 : vector<16xi32>
    %scan3A = arith.constant 0 : i32
    %scan3A_40 = arith.constant 0 : i32
    %scan3A_41 = arith.constant 32 : i32
    %scan3A_42 = arith.addi %scan3A_40, %scan3A_41 : i32
    %scan3A_43 = arith.constant 1 : i32
    scf.for %scan3A_45 = %scan3A_40 to %scan3A_42 step %scan3A_43  : i32 {
      %jit3A_46 = arith.constant 8 : i32
      %div3A_47 = arith.divsi %scan3A_45, %jit3A_46 : i32
      %sign3A_48 = arith.constant 0 : i32
      %sign3A_49 = arith.cmpi sgt, %scan3A_45, %sign3A_48 : i32
      %sign3A_50 = arith.extui %sign3A_49 : i1 to i32
      %sign3A_51 = arith.constant 0 : i32
      %sign3A_52 = arith.cmpi slt, %scan3A_45, %sign3A_51 : i32
      %sign3A_53 = arith.extui %sign3A_52 : i1 to i32
      %sign3A_54 = arith.subi %sign3A_50, %sign3A_53 : i32
      %sign3A_55 = arith.constant 0 : i32
      %sign3A_56 = arith.cmpi sgt, %jit3A_46, %sign3A_55 : i32
      %sign3A_57 = arith.extui %sign3A_56 : i1 to i32
      %sign3A_58 = arith.constant 0 : i32
      %sign3A_59 = arith.cmpi slt, %jit3A_46, %sign3A_58 : i32
      %sign3A_60 = arith.extui %sign3A_59 : i1 to i32
      %sign3A_61 = arith.subi %sign3A_57, %sign3A_60 : i32
      %ne3A_62 = arith.cmpi ne, %sign3A_54, %sign3A_61 : i32
      %rem3A_63 = arith.remsi %scan3A_45, %jit3A_46 : i32
      %ne3A_64 = arith.constant 0 : i32
      %ne3A_65 = arith.cmpi ne, %rem3A_63, %ne3A_64 : i32
      %and3A_66 = arith.andi %ne3A_62, %ne3A_65 : i1
      %sub3A_67 = arith.constant 1 : i32
      %sub3A_68 = arith.subi %div3A_47, %sub3A_67 : i32
      %select_n3A_69 = arith.select %and3A_66, %sub3A_68, %div3A_47 : i32
      %add3A_70 = arith.addi %mul3A_36, %select_n3A_69 : i32
      %jit3A_71 = arith.constant 8 : i32
      %eq3A_72 = arith.constant 0 : i32
      %eq3A_73 = arith.cmpi eq, %jit3A_71, %eq3A_72 : i32
      %jit3A_74 = arith.constant 1 : i32
      %select_n3A_75 = arith.select %eq3A_73, %jit3A_74, %jit3A_71 : i32
      %rem3A_76 = arith.remsi %scan3A_45, %select_n3A_75 : i32
      %ne3A_77 = arith.constant 0 : i32
      %ne3A_78 = arith.cmpi ne, %rem3A_76, %ne3A_77 : i32
      %lt3A_79 = arith.constant 0 : i32
      %lt3A_80 = arith.cmpi slt, %rem3A_76, %lt3A_79 : i32
      %lt3A_81 = arith.constant 0 : i32
      %lt3A_82 = arith.cmpi slt, %select_n3A_75, %lt3A_81 : i32
      %ne3A_83 = arith.xori %lt3A_80, %lt3A_82 : i1
      %and3A_84 = arith.andi %ne3A_83, %ne3A_78 : i1
      %add3A_85 = arith.addi %rem3A_76, %select_n3A_75 : i32
      %select_n3A_86 = arith.select %and3A_84, %add3A_85, %rem3A_76 : i32
      %mul3A_87 = arith.constant 16 : i32
      %mul3A_88 = arith.muli %select_n3A_86, %mul3A_87 : i32
      %get3A = arith.index_cast %add3A_70 : i32 to index
      %get3A_89 = arith.index_cast %mul3A_88 : i32 to index
      %get3A_90 = tpu.vector_load %arg5[%get3A, %get3A_89] {strides = array<i32>} : memref<8x128xi32, #tpu.memory_space<vmem>>, vector<16xi32>,
      %slice3A = vector.extract_strided_slice %get3A_90 {offsets = [0], sizes = [1], strides = [1]} : vector<16xi32> to vector<1xi32>
      %squeeze3A = vector.extract %slice3A[0] : i32 from vector<1xi32>
      %jit3A_91 = arith.constant 128 : i32
      %div3A_92 = arith.divsi %squeeze3A, %jit3A_91 : i32
      %sign3A_93 = arith.constant 0 : i32
      %sign3A_94 = arith.cmpi sgt, %squeeze3A, %sign3A_93 : i32
      %sign3A_95 = arith.extui %sign3A_94 : i1 to i32
      %sign3A_96 = arith.constant 0 : i32
      %sign3A_97 = arith.cmpi slt, %squeeze3A, %sign3A_96 : i32
      %sign3A_98 = arith.extui %sign3A_97 : i1 to i32
      %sign3A_99 = arith.subi %sign3A_95, %sign3A_98 : i32
      %sign3A_100 = arith.constant 0 : i32
      %sign3A_101 = arith.cmpi sgt, %jit3A_91, %sign3A_100 : i32
      %sign3A_102 = arith.extui %sign3A_101 : i1 to i32
      %sign3A_103 = arith.constant 0 : i32
      %sign3A_104 = arith.cmpi slt, %jit3A_91, %sign3A_103 : i32
      %sign3A_105 = arith.extui %sign3A_104 : i1 to i32
      %sign3A_106 = arith.subi %sign3A_102, %sign3A_105 : i32
      %ne3A_107 = arith.cmpi ne, %sign3A_99, %sign3A_106 : i32
      %rem3A_108 = arith.remsi %squeeze3A, %jit3A_91 : i32
      %ne3A_109 = arith.constant 0 : i32
      %ne3A_110 = arith.cmpi ne, %rem3A_108, %ne3A_109 : i32
      %and3A_111 = arith.andi %ne3A_107, %ne3A_110 : i1
      %sub3A_112 = arith.constant 1 : i32
      %sub3A_113 = arith.subi %div3A_92, %sub3A_112 : i32
      %select_n3A_114 = arith.select %and3A_111, %sub3A_113, %div3A_92 : i32
      %mul3A_115 = arith.constant 128 : i32
      %mul3A_116 = arith.muli %select_n3A_114, %mul3A_115 : i32
      %multiple_of3A = tpu.assume_multiple %mul3A_116, 128 : i32
      %dma_start3A = arith.constant 0 : i32
      %dma_start3A_117 = arith.constant 0 : i32
      %dma_start3A_118 = arith.constant 0 : i32
      %dma_start3A_119 = tpu.memref_slice %arg6[%dma_start3A, %dma_start3A_117, %dma_start3A_118] : memref<16x32x128xf32, #tpu.memory_space<vmem>> -> memref<1x32x128xf32, #tpu.memory_space<vmem>>
      %dma_start3A_120 = tpu.memref_squeeze %dma_start3A_119 : memref<1x32x128xf32, #tpu.memory_space<vmem>> -> memref<32x128xf32, #tpu.memory_space<vmem>>
      %dma_start3A_121 = arith.constant 0 : i32
      %dma_start3A_122 = tpu.memref_slice %arg3[%dma_start3A_121, %multiple_of3A] : memref<32x1000000xf32, #tpu.memory_space<hbm>> -> memref<32x128xf32, #tpu.memory_space<hbm>>
      %dma_start3A_123 = arith.constant 0 : i32
      %dma_start3A_124 = arith.constant 0 : i32
      %dma_start3A_125 = tpu.memref_slice %arg6[%dma_start3A, %dma_start3A_123, %dma_start3A_124] : memref<16x32x128xf32, #tpu.memory_space<vmem>> -> memref<1x32x128xf32, #tpu.memory_space<vmem>>
      %dma_start3A_126 = tpu.memref_squeeze %dma_start3A_125 : memref<1x32x128xf32, #tpu.memory_space<vmem>> -> memref<32x128xf32, #tpu.memory_space<vmem>>
      %dma_start3A_127 = arith.constant 0 : i32
      %dma_start3A_128 = tpu.memref_slice %arg3[%dma_start3A_127, %multiple_of3A] : memref<32x1000000xf32, #tpu.memory_space<hbm>> -> memref<32x128xf32, #tpu.memory_space<hbm>>
      tpu.enqueue_dma source(%dma_start3A_128 : memref<32x128xf32, #tpu.memory_space<hbm>>) target(%dma_start3A_126 : memref<32x128xf32, #tpu.memory_space<vmem>>) target_semaphore(%arg8 : memref<!tpu.dma_semaphore, #tpu.memory_space<semaphore_mem>>)
      %slice3A_129 = vector.extract_strided_slice %get3A_90 {offsets = [1], sizes = [1], strides = [1]} : vector<16xi32> to vector<1xi32>
      %squeeze3A_130 = vector.extract %slice3A_129[0] : i32 from vector<1xi32>
      %jit3A_131 = arith.constant 128 : i32
      %div3A_132 = arith.divsi %squeeze3A_130, %jit3A_131 : i32
      %sign3A_133 = arith.constant 0 : i32
      %sign3A_134 = arith.cmpi sgt, %squeeze3A_130, %sign3A_133 : i32
      %sign3A_135 = arith.extui %sign3A_134 : i1 to i32
      %sign3A_136 = arith.constant 0 : i32
      %sign3A_137 = arith.cmpi slt, %squeeze3A_130, %sign3A_136 : i32
      %sign3A_138 = arith.extui %sign3A_137 : i1 to i32
      %sign3A_139 = arith.subi %sign3A_135, %sign3A_138 : i32
      %sign3A_140 = arith.constant 0 : i32
      %sign3A_141 = arith.cmpi sgt, %jit3A_131, %sign3A_140 : i32
      %sign3A_142 = arith.extui %sign3A_141 : i1 to i32
      %sign3A_143 = arith.constant 0 : i32
      %sign3A_144 = arith.cmpi slt, %jit3A_131, %sign3A_143 : i32
      %sign3A_145 = arith.extui %sign3A_144 : i1 to i32
      %sign3A_146 = arith.subi %sign3A_142, %sign3A_145 : i32
      %ne3A_147 = arith.cmpi ne, %sign3A_139, %sign3A_146 : i32
      %rem3A_148 = arith.remsi %squeeze3A_130, %jit3A_131 : i32
      %ne3A_149 = arith.constant 0 : i32
      %ne3A_150 = arith.cmpi ne, %rem3A_148, %ne3A_149 : i32
      %and3A_151 = arith.andi %ne3A_147, %ne3A_150 : i1
      %sub3A_152 = arith.constant 1 : i32
      %sub3A_153 = arith.subi %div3A_132, %sub3A_152 : i32
      %select_n3A_154 = arith.select %and3A_151, %sub3A_153, %div3A_132 : i32
      %mul3A_155 = arith.constant 128 : i32
      %mul3A_156 = arith.muli %select_n3A_154, %mul3A_155 : i32
      %multiple_of3A_157 = tpu.assume_multiple %mul3A_156, 128 : i32
      %dma_start3A_158 = arith.constant 1 : i32
      %dma_start3A_159 = arith.constant 0 : i32
      %dma_start3A_160 = arith.constant 0 : i32
      %dma_start3A_161 = tpu.memref_slice %arg6[%dma_start3A_158, %dma_start3A_159, %dma_start3A_160] : memref<16x32x128xf32, #tpu.memory_space<vmem>> -> memref<1x32x128xf32, #tpu.memory_space<vmem>>
      %dma_start3A_162 = tpu.memref_squeeze %dma_start3A_161 : memref<1x32x128xf32, #tpu.memory_space<vmem>> -> memref<32x128xf32, #tpu.memory_space<vmem>>
      %dma_start3A_163 = arith.constant 0 : i32
      %dma_start3A_164 = tpu.memref_slice %arg3[%dma_start3A_163, %multiple_of3A_157] : memref<32x1000000xf32, #tpu.memory_space<hbm>> -> memref<32x128xf32, #tpu.memory_space<hbm>>
      %dma_start3A_165 = arith.constant 0 : i32
      %dma_start3A_166 = arith.constant 0 : i32
      %dma_start3A_167 = tpu.memref_slice %arg6[%dma_start3A_158, %dma_start3A_165, %dma_start3A_166] : memref<16x32x128xf32, #tpu.memory_space<vmem>> -> memref<1x32x128xf32, #tpu.memory_space<vmem>>
      %dma_start3A_168 = tpu.memref_squeeze %dma_start3A_167 : memref<1x32x128xf32, #tpu.memory_space<vmem>> -> memref<32x128xf32, #tpu.memory_space<vmem>>
      %dma_start3A_169 = arith.constant 0 : i32
      %dma_start3A_170 = tpu.memref_slice %arg3[%dma_start3A_169, %multiple_of3A_157] : memref<32x1000000xf32, #tpu.memory_space<hbm>> -> memref<32x128xf32, #tpu.memory_space<hbm>>
      tpu.enqueue_dma source(%dma_start3A_170 : memref<32x128xf32, #tpu.memory_space<hbm>>) target(%dma_start3A_168 : memref<32x128xf32, #tpu.memory_space<vmem>>) target_semaphore(%arg8 : memref<!tpu.dma_semaphore, #tpu.memory_space<semaphore_mem>>)
      %slice3A_171 = vector.extract_strided_slice %get3A_90 {offsets = [2], sizes = [1], strides = [1]} : vector<16xi32> to vector<1xi32>
      %squeeze3A_172 = vector.extract %slice3A_171[0] : i32 from vector<1xi32>
      %jit3A_173 = arith.constant 128 : i32
      %div3A_174 = arith.divsi %squeeze3A_172, %jit3A_173 : i32
      %sign3A_175 = arith.constant 0 : i32
      %sign3A_176 = arith.cmpi sgt, %squeeze3A_172, %sign3A_175 : i32
      %sign3A_177 = arith.extui %sign3A_176 : i1 to i32
      %sign3A_178 = arith.constant 0 : i32
      %sign3A_179 = arith.cmpi slt, %squeeze3A_172, %sign3A_178 : i32
      %sign3A_180 = arith.extui %sign3A_179 : i1 to i32
      %sign3A_181 = arith.subi %sign3A_177, %sign3A_180 : i32
      %sign3A_182 = arith.constant 0 : i32
      %sign3A_183 = arith.cmpi sgt, %jit3A_173, %sign3A_182 : i32
      %sign3A_184 = arith.extui %sign3A_183 : i1 to i32
      %sign3A_185 = arith.constant 0 : i32
      %sign3A_186 = arith.cmpi slt, %jit3A_173, %sign3A_185 : i32
      %sign3A_187 = arith.extui %sign3A_186 : i1 to i32
      %sign3A_188 = arith.subi %sign3A_184, %sign3A_187 : i32
      %ne3A_189 = arith.cmpi ne, %sign3A_181, %sign3A_188 : i32
      %rem3A_190 = arith.remsi %squeeze3A_172, %jit3A_173 : i32
      %ne3A_191 = arith.constant 0 : i32
      %ne3A_192 = arith.cmpi ne, %rem3A_190, %ne3A_191 : i32
      %and3A_193 = arith.andi %ne3A_189, %ne3A_192 : i1
      %sub3A_194 = arith.constant 1 : i32
      %sub3A_195 = arith.subi %div3A_174, %sub3A_194 : i32
      %select_n3A_196 = arith.select %and3A_193, %sub3A_195, %div3A_174 : i32
      %mul3A_197 = arith.constant 128 : i32
      %mul3A_198 = arith.muli %select_n3A_196, %mul3A_197 : i32
      %multiple_of3A_199 = tpu.assume_multiple %mul3A_198, 128 : i32
      %dma_start3A_200 = arith.constant 2 : i32
      %dma_start3A_201 = arith.constant 0 : i32
      %dma_start3A_202 = arith.constant 0 : i32
      %dma_start3A_203 = tpu.memref_slice %arg6[%dma_start3A_200, %dma_start3A_201, %dma_start3A_202] : memref<16x32x128xf32, #tpu.memory_space<vmem>> -> memref<1x32x128xf32, #tpu.memory_space<vmem>>
      %dma_start3A_204 = tpu.memref_squeeze %dma_start3A_203 : memref<1x32x128xf32, #tpu.memory_space<vmem>> -> memref<32x128xf32, #tpu.memory_space<vmem>>
      %dma_start3A_205 = arith.constant 0 : i32
      %dma_start3A_206 = tpu.memref_slice %arg3[%dma_start3A_205, %multiple_of3A_199] : memref<32x1000000xf32, #tpu.memory_space<hbm>> -> memref<32x128xf32, #tpu.memory_space<hbm>>
      %dma_start3A_207 = arith.constant 0 : i32
      %dma_start3A_208 = arith.constant 0 : i32
      %dma_start3A_209 = tpu.memref_slice %arg6[%dma_start3A_200, %dma_start3A_207, %dma_start3A_208] : memref<16x32x128xf32, #tpu.memory_space<vmem>> -> memref<1x32x128xf32, #tpu.memory_space<vmem>>
      %dma_start3A_210 = tpu.memref_squeeze %dma_start3A_209 : memref<1x32x128xf32, #tpu.memory_space<vmem>> -> memref<32x128xf32, #tpu.memory_space<vmem>>
      %dma_start3A_211 = arith.constant 0 : i32
      %dma_start3A_212 = tpu.memref_slice %arg3[%dma_start3A_211, %multiple_of3A_199] : memref<32x1000000xf32, #tpu.memory_space<hbm>> -> memref<32x128xf32, #tpu.memory_space<hbm>>
      tpu.enqueue_dma source(%dma_start3A_212 : memref<32x128xf32, #tpu.memory_space<hbm>>) target(%dma_start3A_210 : memref<32x128xf32, #tpu.memory_space<vmem>>) target_semaphore(%arg8 : memref<!tpu.dma_semaphore, #tpu.memory_space<semaphore_mem>>)
      %slice3A_213 = vector.extract_strided_slice %get3A_90 {offsets = [3], sizes = [1], strides = [1]} : vector<16xi32> to vector<1xi32>
      %squeeze3A_214 = vector.extract %slice3A_213[0] : i32 from vector<1xi32>
      %jit3A_215 = arith.constant 128 : i32
      %div3A_216 = arith.divsi %squeeze3A_214, %jit3A_215 : i32
      %sign3A_217 = arith.constant 0 : i32
      %sign3A_218 = arith.cmpi sgt, %squeeze3A_214, %sign3A_217 : i32
      %sign3A_219 = arith.extui %sign3A_218 : i1 to i32
      %sign3A_220 = arith.constant 0 : i32
      %sign3A_221 = arith.cmpi slt, %squeeze3A_214, %sign3A_220 : i32
      %sign3A_222 = arith.extui %sign3A_221 : i1 to i32
      %sign3A_223 = arith.subi %sign3A_219, %sign3A_222 : i32
      %sign3A_224 = arith.constant 0 : i32
      %sign3A_225 = arith.cmpi sgt, %jit3A_215, %sign3A_224 : i32
      %sign3A_226 = arith.extui %sign3A_225 : i1 to i32
      %sign3A_227 = arith.constant 0 : i32
      %sign3A_228 = arith.cmpi slt, %jit3A_215, %sign3A_227 : i32
      %sign3A_229 = arith.extui %sign3A_228 : i1 to i32
      %sign3A_230 = arith.subi %sign3A_226, %sign3A_229 : i32
      %ne3A_231 = arith.cmpi ne, %sign3A_223, %sign3A_230 : i32
      %rem3A_232 = arith.remsi %squeeze3A_214, %jit3A_215 : i32
      %ne3A_233 = arith.constant 0 : i32
      %ne3A_234 = arith.cmpi ne, %rem3A_232, %ne3A_233 : i32
      %and3A_235 = arith.andi %ne3A_231, %ne3A_234 : i1
      %sub3A_236 = arith.constant 1 : i32
      %sub3A_237 = arith.subi %div3A_216, %sub3A_236 : i32
      %select_n3A_238 = arith.select %and3A_235, %sub3A_237, %div3A_216 : i32
      %mul3A_239 = arith.constant 128 : i32
      %mul3A_240 = arith.muli %select_n3A_238, %mul3A_239 : i32
      %multiple_of3A_241 = tpu.assume_multiple %mul3A_240, 128 : i32
      %dma_start3A_242 = arith.constant 3 : i32
      %dma_start3A_243 = arith.constant 0 : i32
      %dma_start3A_244 = arith.constant 0 : i32
      %dma_start3A_245 = tpu.memref_slice %arg6[%dma_start3A_242, %dma_start3A_243, %dma_start3A_244] : memref<16x32x128xf32, #tpu.memory_space<vmem>> -> memref<1x32x128xf32, #tpu.memory_space<vmem>>
      %dma_start3A_246 = tpu.memref_squeeze %dma_start3A_245 : memref<1x32x128xf32, #tpu.memory_space<vmem>> -> memref<32x128xf32, #tpu.memory_space<vmem>>
      %dma_start3A_247 = arith.constant 0 : i32
      %dma_start3A_248 = tpu.memref_slice %arg3[%dma_start3A_247, %multiple_of3A_241] : memref<32x1000000xf32, #tpu.memory_space<hbm>> -> memref<32x128xf32, #tpu.memory_space<hbm>>
      %dma_start3A_249 = arith.constant 0 : i32
      %dma_start3A_250 = arith.constant 0 : i32
      %dma_start3A_251 = tpu.memref_slice %arg6[%dma_start3A_242, %dma_start3A_249, %dma_start3A_250] : memref<16x32x128xf32, #tpu.memory_space<vmem>> -> memref<1x32x128xf32, #tpu.memory_space<vmem>>
      %dma_start3A_252 = tpu.memref_squeeze %dma_start3A_251 : memref<1x32x128xf32, #tpu.memory_space<vmem>> -> memref<32x128xf32, #tpu.memory_space<vmem>>
      %dma_start3A_253 = arith.constant 0 : i32
      %dma_start3A_254 = tpu.memref_slice %arg3[%dma_start3A_253, %multiple_of3A_241] : memref<32x1000000xf32, #tpu.memory_space<hbm>> -> memref<32x128xf32, #tpu.memory_space<hbm>>
      tpu.enqueue_dma source(%dma_start3A_254 : memref<32x128xf32, #tpu.memory_space<hbm>>) target(%dma_start3A_252 : memref<32x128xf32, #tpu.memory_space<vmem>>) target_semaphore(%arg8 : memref<!tpu.dma_semaphore, #tpu.memory_space<semaphore_mem>>)
      %slice3A_255 = vector.extract_strided_slice %get3A_90 {offsets = [4], sizes = [1], strides = [1]} : vector<16xi32> to vector<1xi32>
      %squeeze3A_256 = vector.extract %slice3A_255[0] : i32 from vector<1xi32>
      %jit3A_257 = arith.constant 128 : i32
      %div3A_258 = arith.divsi %squeeze3A_256, %jit3A_257 : i32
      %sign3A_259 = arith.constant 0 : i32
      %sign3A_260 = arith.cmpi sgt, %squeeze3A_256, %sign3A_259 : i32
      %sign3A_261 = arith.extui %sign3A_260 : i1 to i32
      %sign3A_262 = arith.constant 0 : i32
      %sign3A_263 = arith.cmpi slt, %squeeze3A_256, %sign3A_262 : i32
      %sign3A_264 = arith.extui %sign3A_263 : i1 to i32
      %sign3A_265 = arith.subi %sign3A_261, %sign3A_264 : i32
      %sign3A_266 = arith.constant 0 : i32
      %sign3A_267 = arith.cmpi sgt, %jit3A_257, %sign3A_266 : i32
      %sign3A_268 = arith.extui %sign3A_267 : i1 to i32
      %sign3A_269 = arith.constant 0 : i32
      %sign3A_270 = arith.cmpi slt, %jit3A_257, %sign3A_269 : i32
      %sign3A_271 = arith.extui %sign3A_270 : i1 to i32
      %sign3A_272 = arith.subi %sign3A_268, %sign3A_271 : i32
      %ne3A_273 = arith.cmpi ne, %sign3A_265, %sign3A_272 : i32
      %rem3A_274 = arith.remsi %squeeze3A_256, %jit3A_257 : i32
      %ne3A_275 = arith.constant 0 : i32
      %ne3A_276 = arith.cmpi ne, %rem3A_274, %ne3A_275 : i32
      %and3A_277 = arith.andi %ne3A_273, %ne3A_276 : i1
      %sub3A_278 = arith.constant 1 : i32
      %sub3A_279 = arith.subi %div3A_258, %sub3A_278 : i32
      %select_n3A_280 = arith.select %and3A_277, %sub3A_279, %div3A_258 : i32
      %mul3A_281 = arith.constant 128 : i32
      %mul3A_282 = arith.muli %select_n3A_280, %mul3A_281 : i32
      %multiple_of3A_283 = tpu.assume_multiple %mul3A_282, 128 : i32
      %dma_start3A_284 = arith.constant 4 : i32
      %dma_start3A_285 = arith.constant 0 : i32
      %dma_start3A_286 = arith.constant 0 : i32
      %dma_start3A_287 = tpu.memref_slice %arg6[%dma_start3A_284, %dma_start3A_285, %dma_start3A_286] : memref<16x32x128xf32, #tpu.memory_space<vmem>> -> memref<1x32x128xf32, #tpu.memory_space<vmem>>
      %dma_start3A_288 = tpu.memref_squeeze %dma_start3A_287 : memref<1x32x128xf32, #tpu.memory_space<vmem>> -> memref<32x128xf32, #tpu.memory_space<vmem>>
      %dma_start3A_289 = arith.constant 0 : i32
      %dma_start3A_290 = tpu.memref_slice %arg3[%dma_start3A_289, %multiple_of3A_283] : memref<32x1000000xf32, #tpu.memory_space<hbm>> -> memref<32x128xf32, #tpu.memory_space<hbm>>
      %dma_start3A_291 = arith.constant 0 : i32
      %dma_start3A_292 = arith.constant 0 : i32
      %dma_start3A_293 = tpu.memref_slice %arg6[%dma_start3A_284, %dma_start3A_291, %dma_start3A_292] : memref<16x32x128xf32, #tpu.memory_space<vmem>> -> memref<1x32x128xf32, #tpu.memory_space<vmem>>
      %dma_start3A_294 = tpu.memref_squeeze %dma_start3A_293 : memref<1x32x128xf32, #tpu.memory_space<vmem>> -> memref<32x128xf32, #tpu.memory_space<vmem>>
      %dma_start3A_295 = arith.constant 0 : i32
      %dma_start3A_296 = tpu.memref_slice %arg3[%dma_start3A_295, %multiple_of3A_283] : memref<32x1000000xf32, #tpu.memory_space<hbm>> -> memref<32x128xf32, #tpu.memory_space<hbm>>
      tpu.enqueue_dma source(%dma_start3A_296 : memref<32x128xf32, #tpu.memory_space<hbm>>) target(%dma_start3A_294 : memref<32x128xf32, #tpu.memory_space<vmem>>) target_semaphore(%arg8 : memref<!tpu.dma_semaphore, #tpu.memory_space<semaphore_mem>>)
      %slice3A_297 = vector.extract_strided_slice %get3A_90 {offsets = [5], sizes = [1], strides = [1]} : vector<16xi32> to vector<1xi32>
      %squeeze3A_298 = vector.extract %slice3A_297[0] : i32 from vector<1xi32>
      %jit3A_299 = arith.constant 128 : i32
      %div3A_300 = arith.divsi %squeeze3A_298, %jit3A_299 : i32
      %sign3A_301 = arith.constant 0 : i32
      %sign3A_302 = arith.cmpi sgt, %squeeze3A_298, %sign3A_301 : i32
      %sign3A_303 = arith.extui %sign3A_302 : i1 to i32
      %sign3A_304 = arith.constant 0 : i32
      %sign3A_305 = arith.cmpi slt, %squeeze3A_298, %sign3A_304 : i32
      %sign3A_306 = arith.extui %sign3A_305 : i1 to i32
      %sign3A_307 = arith.subi %sign3A_303, %sign3A_306 : i32
      %sign3A_308 = arith.constant 0 : i32
      %sign3A_309 = arith.cmpi sgt, %jit3A_299, %sign3A_308 : i32
      %sign3A_310 = arith.extui %sign3A_309 : i1 to i32
      %sign3A_311 = arith.constant 0 : i32
      %sign3A_312 = arith.cmpi slt, %jit3A_299, %sign3A_311 : i32
      %sign3A_313 = arith.extui %sign3A_312 : i1 to i32
      %sign3A_314 = arith.subi %sign3A_310, %sign3A_313 : i32
      %ne3A_315 = arith.cmpi ne, %sign3A_307, %sign3A_314 : i32
      %rem3A_316 = arith.remsi %squeeze3A_298, %jit3A_299 : i32
      %ne3A_317 = arith.constant 0 : i32
      %ne3A_318 = arith.cmpi ne, %rem3A_316, %ne3A_317 : i32
      %and3A_319 = arith.andi %ne3A_315, %ne3A_318 : i1
      %sub3A_320 = arith.constant 1 : i32
      %sub3A_321 = arith.subi %div3A_300, %sub3A_320 : i32
      %select_n3A_322 = arith.select %and3A_319, %sub3A_321, %div3A_300 : i32
      %mul3A_323 = arith.constant 128 : i32
      %mul3A_324 = arith.muli %select_n3A_322, %mul3A_323 : i32
      %multiple_of3A_325 = tpu.assume_multiple %mul3A_324, 128 : i32
      %dma_start3A_326 = arith.constant 5 : i32
      %dma_start3A_327 = arith.constant 0 : i32
      %dma_start3A_328 = arith.constant 0 : i32
      %dma_start3A_329 = tpu.memref_slice %arg6[%dma_start3A_326, %dma_start3A_327, %dma_start3A_328] : memref<16x32x128xf32, #tpu.memory_space<vmem>> -> memref<1x32x128xf32, #tpu.memory_space<vmem>>
      %dma_start3A_330 = tpu.memref_squeeze %dma_start3A_329 : memref<1x32x128xf32, #tpu.memory_space<vmem>> -> memref<32x128xf32, #tpu.memory_space<vmem>>
      %dma_start3A_331 = arith.constant 0 : i32
      %dma_start3A_332 = tpu.memref_slice %arg3[%dma_start3A_331, %multiple_of3A_325] : memref<32x1000000xf32, #tpu.memory_space<hbm>> -> memref<32x128xf32, #tpu.memory_space<hbm>>
      %dma_start3A_333 = arith.constant 0 : i32
      %dma_start3A_334 = arith.constant 0 : i32
      %dma_start3A_335 = tpu.memref_slice %arg6[%dma_start3A_326, %dma_start3A_333, %dma_start3A_334] : memref<16x32x128xf32, #tpu.memory_space<vmem>> -> memref<1x32x128xf32, #tpu.memory_space<vmem>>
      %dma_start3A_336 = tpu.memref_squeeze %dma_start3A_335 : memref<1x32x128xf32, #tpu.memory_space<vmem>> -> memref<32x128xf32, #tpu.memory_space<vmem>>
      %dma_start3A_337 = arith.constant 0 : i32
      %dma_start3A_338 = tpu.memref_slice %arg3[%dma_start3A_337, %multiple_of3A_325] : memref<32x1000000xf32, #tpu.memory_space<hbm>> -> memref<32x128xf32, #tpu.memory_space<hbm>>
      tpu.enqueue_dma source(%dma_start3A_338 : memref<32x128xf32, #tpu.memory_space<hbm>>) target(%dma_start3A_336 : memref<32x128xf32, #tpu.memory_space<vmem>>) target_semaphore(%arg8 : memref<!tpu.dma_semaphore, #tpu.memory_space<semaphore_mem>>)
      %slice3A_339 = vector.extract_strided_slice %get3A_90 {offsets = [6], sizes = [1], strides = [1]} : vector<16xi32> to vector<1xi32>
      %squeeze3A_340 = vector.extract %slice3A_339[0] : i32 from vector<1xi32>
      %jit3A_341 = arith.constant 128 : i32
      %div3A_342 = arith.divsi %squeeze3A_340, %jit3A_341 : i32
      %sign3A_343 = arith.constant 0 : i32
      %sign3A_344 = arith.cmpi sgt, %squeeze3A_340, %sign3A_343 : i32
      %sign3A_345 = arith.extui %sign3A_344 : i1 to i32
      %sign3A_346 = arith.constant 0 : i32
      %sign3A_347 = arith.cmpi slt, %squeeze3A_340, %sign3A_346 : i32
      %sign3A_348 = arith.extui %sign3A_347 : i1 to i32
      %sign3A_349 = arith.subi %sign3A_345, %sign3A_348 : i32
      %sign3A_350 = arith.constant 0 : i32
      %sign3A_351 = arith.cmpi sgt, %jit3A_341, %sign3A_350 : i32
      %sign3A_352 = arith.extui %sign3A_351 : i1 to i32
      %sign3A_353 = arith.constant 0 : i32
      %sign3A_354 = arith.cmpi slt, %jit3A_341, %sign3A_353 : i32
      %sign3A_355 = arith.extui %sign3A_354 : i1 to i32
      %sign3A_356 = arith.subi %sign3A_352, %sign3A_355 : i32
      %ne3A_357 = arith.cmpi ne, %sign3A_349, %sign3A_356 : i32
      %rem3A_358 = arith.remsi %squeeze3A_340, %jit3A_341 : i32
      %ne3A_359 = arith.constant 0 : i32
      %ne3A_360 = arith.cmpi ne, %rem3A_358, %ne3A_359 : i32
      %and3A_361 = arith.andi %ne3A_357, %ne3A_360 : i1
      %sub3A_362 = arith.constant 1 : i32
      %sub3A_363 = arith.subi %div3A_342, %sub3A_362 : i32
      %select_n3A_364 = arith.select %and3A_361, %sub3A_363, %div3A_342 : i32
      %mul3A_365 = arith.constant 128 : i32
      %mul3A_366 = arith.muli %select_n3A_364, %mul3A_365 : i32
      %multiple_of3A_367 = tpu.assume_multiple %mul3A_366, 128 : i32
      %dma_start3A_368 = arith.constant 6 : i32
      %dma_start3A_369 = arith.constant 0 : i32
      %dma_start3A_370 = arith.constant 0 : i32
      %dma_start3A_371 = tpu.memref_slice %arg6[%dma_start3A_368, %dma_start3A_369, %dma_start3A_370] : memref<16x32x128xf32, #tpu.memory_space<vmem>> -> memref<1x32x128xf32, #tpu.memory_space<vmem>>
      %dma_start3A_372 = tpu.memref_squeeze %dma_start3A_371 : memref<1x32x128xf32, #tpu.memory_space<vmem>> -> memref<32x128xf32, #tpu.memory_space<vmem>>
      %dma_start3A_373 = arith.constant 0 : i32
      %dma_start3A_374 = tpu.memref_slice %arg3[%dma_start3A_373, %multiple_of3A_367] : memref<32x1000000xf32, #tpu.memory_space<hbm>> -> memref<32x128xf32, #tpu.memory_space<hbm>>
      %dma_start3A_375 = arith.constant 0 : i32
      %dma_start3A_376 = arith.constant 0 : i32
      %dma_start3A_377 = tpu.memref_slice %arg6[%dma_start3A_368, %dma_start3A_375, %dma_start3A_376] : memref<16x32x128xf32, #tpu.memory_space<vmem>> -> memref<1x32x128xf32, #tpu.memory_space<vmem>>
      %dma_start3A_378 = tpu.memref_squeeze %dma_start3A_377 : memref<1x32x128xf32, #tpu.memory_space<vmem>> -> memref<32x128xf32, #tpu.memory_space<vmem>>
      %dma_start3A_379 = arith.constant 0 : i32
      %dma_start3A_380 = tpu.memref_slice %arg3[%dma_start3A_379, %multiple_of3A_367] : memref<32x1000000xf32, #tpu.memory_space<hbm>> -> memref<32x128xf32, #tpu.memory_space<hbm>>
      tpu.enqueue_dma source(%dma_start3A_380 : memref<32x128xf32, #tpu.memory_space<hbm>>) target(%dma_start3A_378 : memref<32x128xf32, #tpu.memory_space<vmem>>) target_semaphore(%arg8 : memref<!tpu.dma_semaphore, #tpu.memory_space<semaphore_mem>>)
      %slice3A_381 = vector.extract_strided_slice %get3A_90 {offsets = [7], sizes = [1], strides = [1]} : vector<16xi32> to vector<1xi32>
      %squeeze3A_382 = vector.extract %slice3A_381[0] : i32 from vector<1xi32>
      %jit3A_383 = arith.constant 128 : i32
      %div3A_384 = arith.divsi %squeeze3A_382, %jit3A_383 : i32
      %sign3A_385 = arith.constant 0 : i32
      %sign3A_386 = arith.cmpi sgt, %squeeze3A_382, %sign3A_385 : i32
      %sign3A_387 = arith.extui %sign3A_386 : i1 to i32
      %sign3A_388 = arith.constant 0 : i32
      %sign3A_389 = arith.cmpi slt, %squeeze3A_382, %sign3A_388 : i32
      %sign3A_390 = arith.extui %sign3A_389 : i1 to i32
      %sign3A_391 = arith.subi %sign3A_387, %sign3A_390 : i32
      %sign3A_392 = arith.constant 0 : i32
      %sign3A_393 = arith.cmpi sgt, %jit3A_383, %sign3A_392 : i32
      %sign3A_394 = arith.extui %sign3A_393 : i1 to i32
      %sign3A_395 = arith.constant 0 : i32
      %sign3A_396 = arith.cmpi slt, %jit3A_383, %sign3A_395 : i32
      %sign3A_397 = arith.extui %sign3A_396 : i1 to i32
      %sign3A_398 = arith.subi %sign3A_394, %sign3A_397 : i32
      %ne3A_399 = arith.cmpi ne, %sign3A_391, %sign3A_398 : i32
      %rem3A_400 = arith.remsi %squeeze3A_382, %jit3A_383 : i32
      %ne3A_401 = arith.constant 0 : i32
      %ne3A_402 = arith.cmpi ne, %rem3A_400, %ne3A_401 : i32
      %and3A_403 = arith.andi %ne3A_399, %ne3A_402 : i1
      %sub3A_404 = arith.constant 1 : i32
      %sub3A_405 = arith.subi %div3A_384, %sub3A_404 : i32
      %select_n3A_406 = arith.select %and3A_403, %sub3A_405, %div3A_384 : i32
      %mul3A_407 = arith.constant 128 : i32
      %mul3A_408 = arith.muli %select_n3A_406, %mul3A_407 : i32
      %multiple_of3A_409 = tpu.assume_multiple %mul3A_408, 128 : i32
      %dma_start3A_410 = arith.constant 7 : i32
      %dma_start3A_411 = arith.constant 0 : i32
      %dma_start3A_412 = arith.constant 0 : i32
      %dma_start3A_413 = tpu.memref_slice %arg6[%dma_start3A_410, %dma_start3A_411, %dma_start3A_412] : memref<16x32x128xf32, #tpu.memory_space<vmem>> -> memref<1x32x128xf32, #tpu.memory_space<vmem>>
      %dma_start3A_414 = tpu.memref_squeeze %dma_start3A_413 : memref<1x32x128xf32, #tpu.memory_space<vmem>> -> memref<32x128xf32, #tpu.memory_space<vmem>>
      %dma_start3A_415 = arith.constant 0 : i32
      %dma_start3A_416 = tpu.memref_slice %arg3[%dma_start3A_415, %multiple_of3A_409] : memref<32x1000000xf32, #tpu.memory_space<hbm>> -> memref<32x128xf32, #tpu.memory_space<hbm>>
      %dma_start3A_417 = arith.constant 0 : i32
      %dma_start3A_418 = arith.constant 0 : i32
      %dma_start3A_419 = tpu.memref_slice %arg6[%dma_start3A_410, %dma_start3A_417, %dma_start3A_418] : memref<16x32x128xf32, #tpu.memory_space<vmem>> -> memref<1x32x128xf32, #tpu.memory_space<vmem>>
      %dma_start3A_420 = tpu.memref_squeeze %dma_start3A_419 : memref<1x32x128xf32, #tpu.memory_space<vmem>> -> memref<32x128xf32, #tpu.memory_space<vmem>>
      %dma_start3A_421 = arith.constant 0 : i32
      %dma_start3A_422 = tpu.memref_slice %arg3[%dma_start3A_421, %multiple_of3A_409] : memref<32x1000000xf32, #tpu.memory_space<hbm>> -> memref<32x128xf32, #tpu.memory_space<hbm>>
      tpu.enqueue_dma source(%dma_start3A_422 : memref<32x128xf32, #tpu.memory_space<hbm>>) target(%dma_start3A_420 : memref<32x128xf32, #tpu.memory_space<vmem>>) target_semaphore(%arg8 : memref<!tpu.dma_semaphore, #tpu.memory_space<semaphore_mem>>)
      %slice3A_423 = vector.extract_strided_slice %get3A_90 {offsets = [8], sizes = [1], strides = [1]} : vector<16xi32> to vector<1xi32>
      %squeeze3A_424 = vector.extract %slice3A_423[0] : i32 from vector<1xi32>
      %jit3A_425 = arith.constant 128 : i32
      %div3A_426 = arith.divsi %squeeze3A_424, %jit3A_425 : i32
      %sign3A_427 = arith.constant 0 : i32
      %sign3A_428 = arith.cmpi sgt, %squeeze3A_424, %sign3A_427 : i32
      %sign3A_429 = arith.extui %sign3A_428 : i1 to i32
      %sign3A_430 = arith.constant 0 : i32
      %sign3A_431 = arith.cmpi slt, %squeeze3A_424, %sign3A_430 : i32
      %sign3A_432 = arith.extui %sign3A_431 : i1 to i32
      %sign3A_433 = arith.subi %sign3A_429, %sign3A_432 : i32
      %sign3A_434 = arith.constant 0 : i32
      %sign3A_435 = arith.cmpi sgt, %jit3A_425, %sign3A_434 : i32
      %sign3A_436 = arith.extui %sign3A_435 : i1 to i32
      %sign3A_437 = arith.constant 0 : i32
      %sign3A_438 = arith.cmpi slt, %jit3A_425, %sign3A_437 : i32
      %sign3A_439 = arith.extui %sign3A_438 : i1 to i32
      %sign3A_440 = arith.subi %sign3A_436, %sign3A_439 : i32
      %ne3A_441 = arith.cmpi ne, %sign3A_433, %sign3A_440 : i32
      %rem3A_442 = arith.remsi %squeeze3A_424, %jit3A_425 : i32
      %ne3A_443 = arith.constant 0 : i32
      %ne3A_444 = arith.cmpi ne, %rem3A_442, %ne3A_443 : i32
      %and3A_445 = arith.andi %ne3A_441, %ne3A_444 : i1
      %sub3A_446 = arith.constant 1 : i32
      %sub3A_447 = arith.subi %div3A_426, %sub3A_446 : i32
      %select_n3A_448 = arith.select %and3A_445, %sub3A_447, %div3A_426 : i32
      %mul3A_449 = arith.constant 128 : i32
      %mul3A_450 = arith.muli %select_n3A_448, %mul3A_449 : i32
      %multiple_of3A_451 = tpu.assume_multiple %mul3A_450, 128 : i32
      %dma_start3A_452 = arith.constant 8 : i32
      %dma_start3A_453 = arith.constant 0 : i32
      %dma_start3A_454 = arith.constant 0 : i32
      %dma_start3A_455 = tpu.memref_slice %arg6[%dma_start3A_452, %dma_start3A_453, %dma_start3A_454] : memref<16x32x128xf32, #tpu.memory_space<vmem>> -> memref<1x32x128xf32, #tpu.memory_space<vmem>>
      %dma_start3A_456 = tpu.memref_squeeze %dma_start3A_455 : memref<1x32x128xf32, #tpu.memory_space<vmem>> -> memref<32x128xf32, #tpu.memory_space<vmem>>
      %dma_start3A_457 = arith.constant 0 : i32
      %dma_start3A_458 = tpu.memref_slice %arg3[%dma_start3A_457, %multiple_of3A_451] : memref<32x1000000xf32, #tpu.memory_space<hbm>> -> memref<32x128xf32, #tpu.memory_space<hbm>>
      %dma_start3A_459 = arith.constant 0 : i32
      %dma_start3A_460 = arith.constant 0 : i32
      %dma_start3A_461 = tpu.memref_slice %arg6[%dma_start3A_452, %dma_start3A_459, %dma_start3A_460] : memref<16x32x128xf32, #tpu.memory_space<vmem>> -> memref<1x32x128xf32, #tpu.memory_space<vmem>>
      %dma_start3A_462 = tpu.memref_squeeze %dma_start3A_461 : memref<1x32x128xf32, #tpu.memory_space<vmem>> -> memref<32x128xf32, #tpu.memory_space<vmem>>
      %dma_start3A_463 = arith.constant 0 : i32
      %dma_start3A_464 = tpu.memref_slice %arg3[%dma_start3A_463, %multiple_of3A_451] : memref<32x1000000xf32, #tpu.memory_space<hbm>> -> memref<32x128xf32, #tpu.memory_space<hbm>>
      tpu.enqueue_dma source(%dma_start3A_464 : memref<32x128xf32, #tpu.memory_space<hbm>>) target(%dma_start3A_462 : memref<32x128xf32, #tpu.memory_space<vmem>>) target_semaphore(%arg8 : memref<!tpu.dma_semaphore, #tpu.memory_space<semaphore_mem>>)
      %slice3A_465 = vector.extract_strided_slice %get3A_90 {offsets = [9], sizes = [1], strides = [1]} : vector<16xi32> to vector<1xi32>
      %squeeze3A_466 = vector.extract %slice3A_465[0] : i32 from vector<1xi32>
      %jit3A_467 = arith.constant 128 : i32
      %div3A_468 = arith.divsi %squeeze3A_466, %jit3A_467 : i32
      %sign3A_469 = arith.constant 0 : i32
      %sign3A_470 = arith.cmpi sgt, %squeeze3A_466, %sign3A_469 : i32
      %sign3A_471 = arith.extui %sign3A_470 : i1 to i32
      %sign3A_472 = arith.constant 0 : i32
      %sign3A_473 = arith.cmpi slt, %squeeze3A_466, %sign3A_472 : i32
      %sign3A_474 = arith.extui %sign3A_473 : i1 to i32
      %sign3A_475 = arith.subi %sign3A_471, %sign3A_474 : i32
      %sign3A_476 = arith.constant 0 : i32
      %sign3A_477 = arith.cmpi sgt, %jit3A_467, %sign3A_476 : i32
      %sign3A_478 = arith.extui %sign3A_477 : i1 to i32
      %sign3A_479 = arith.constant 0 : i32
      %sign3A_480 = arith.cmpi slt, %jit3A_467, %sign3A_479 : i32
      %sign3A_481 = arith.extui %sign3A_480 : i1 to i32
      %sign3A_482 = arith.subi %sign3A_478, %sign3A_481 : i32
      %ne3A_483 = arith.cmpi ne, %sign3A_475, %sign3A_482 : i32
      %rem3A_484 = arith.remsi %squeeze3A_466, %jit3A_467 : i32
      %ne3A_485 = arith.constant 0 : i32
      %ne3A_486 = arith.cmpi ne, %rem3A_484, %ne3A_485 : i32
      %and3A_487 = arith.andi %ne3A_483, %ne3A_486 : i1
      %sub3A_488 = arith.constant 1 : i32
      %sub3A_489 = arith.subi %div3A_468, %sub3A_488 : i32
      %select_n3A_490 = arith.select %and3A_487, %sub3A_489, %div3A_468 : i32
      %mul3A_491 = arith.constant 128 : i32
      %mul3A_492 = arith.muli %select_n3A_490, %mul3A_491 : i32
      %multiple_of3A_493 = tpu.assume_multiple %mul3A_492, 128 : i32
      %dma_start3A_494 = arith.constant 9 : i32
      %dma_start3A_495 = arith.constant 0 : i32
      %dma_start3A_496 = arith.constant 0 : i32
      %dma_start3A_497 = tpu.memref_slice %arg6[%dma_start3A_494, %dma_start3A_495, %dma_start3A_496] : memref<16x32x128xf32, #tpu.memory_space<vmem>> -> memref<1x32x128xf32, #tpu.memory_space<vmem>>
      %dma_start3A_498 = tpu.memref_squeeze %dma_start3A_497 : memref<1x32x128xf32, #tpu.memory_space<vmem>> -> memref<32x128xf32, #tpu.memory_space<vmem>>
      %dma_start3A_499 = arith.constant 0 : i32
      %dma_start3A_500 = tpu.memref_slice %arg3[%dma_start3A_499, %multiple_of3A_493] : memref<32x1000000xf32, #tpu.memory_space<hbm>> -> memref<32x128xf32, #tpu.memory_space<hbm>>
      %dma_start3A_501 = arith.constant 0 : i32
      %dma_start3A_502 = arith.constant 0 : i32
      %dma_start3A_503 = tpu.memref_slice %arg6[%dma_start3A_494, %dma_start3A_501, %dma_start3A_502] : memref<16x32x128xf32, #tpu.memory_space<vmem>> -> memref<1x32x128xf32, #tpu.memory_space<vmem>>
      %dma_start3A_504 = tpu.memref_squeeze %dma_start3A_503 : memref<1x32x128xf32, #tpu.memory_space<vmem>> -> memref<32x128xf32, #tpu.memory_space<vmem>>
      %dma_start3A_505 = arith.constant 0 : i32
      %dma_start3A_506 = tpu.memref_slice %arg3[%dma_start3A_505, %multiple_of3A_493] : memref<32x1000000xf32, #tpu.memory_space<hbm>> -> memref<32x128xf32, #tpu.memory_space<hbm>>
      tpu.enqueue_dma source(%dma_start3A_506 : memref<32x128xf32, #tpu.memory_space<hbm>>) target(%dma_start3A_504 : memref<32x128xf32, #tpu.memory_space<vmem>>) target_semaphore(%arg8 : memref<!tpu.dma_semaphore, #tpu.memory_space<semaphore_mem>>)
      %slice3A_507 = vector.extract_strided_slice %get3A_90 {offsets = [10], sizes = [1], strides = [1]} : vector<16xi32> to vector<1xi32>
      %squeeze3A_508 = vector.extract %slice3A_507[0] : i32 from vector<1xi32>
      %jit3A_509 = arith.constant 128 : i32
      %div3A_510 = arith.divsi %squeeze3A_508, %jit3A_509 : i32
      %sign3A_511 = arith.constant 0 : i32
      %sign3A_512 = arith.cmpi sgt, %squeeze3A_508, %sign3A_511 : i32
      %sign3A_513 = arith.extui %sign3A_512 : i1 to i32
      %sign3A_514 = arith.constant 0 : i32
      %sign3A_515 = arith.cmpi slt, %squeeze3A_508, %sign3A_514 : i32
      %sign3A_516 = arith.extui %sign3A_515 : i1 to i32
      %sign3A_517 = arith.subi %sign3A_513, %sign3A_516 : i32
      %sign3A_518 = arith.constant 0 : i32
      %sign3A_519 = arith.cmpi sgt, %jit3A_509, %sign3A_518 : i32
      %sign3A_520 = arith.extui %sign3A_519 : i1 to i32
      %sign3A_521 = arith.constant 0 : i32
      %sign3A_522 = arith.cmpi slt, %jit3A_509, %sign3A_521 : i32
      %sign3A_523 = arith.extui %sign3A_522 : i1 to i32
      %sign3A_524 = arith.subi %sign3A_520, %sign3A_523 : i32
      %ne3A_525 = arith.cmpi ne, %sign3A_517, %sign3A_524 : i32
      %rem3A_526 = arith.remsi %squeeze3A_508, %jit3A_509 : i32
      %ne3A_527 = arith.constant 0 : i32
      %ne3A_528 = arith.cmpi ne, %rem3A_526, %ne3A_527 : i32
      %and3A_529 = arith.andi %ne3A_525, %ne3A_528 : i1
      %sub3A_530 = arith.constant 1 : i32
      %sub3A_531 = arith.subi %div3A_510, %sub3A_530 : i32
      %select_n3A_532 = arith.select %and3A_529, %sub3A_531, %div3A_510 : i32
      %mul3A_533 = arith.constant 128 : i32
      %mul3A_534 = arith.muli %select_n3A_532, %mul3A_533 : i32
      %multiple_of3A_535 = tpu.assume_multiple %mul3A_534, 128 : i32
      %dma_start3A_536 = arith.constant 10 : i32
      %dma_start3A_537 = arith.constant 0 : i32
      %dma_start3A_538 = arith.constant 0 : i32
      %dma_start3A_539 = tpu.memref_slice %arg6[%dma_start3A_536, %dma_start3A_537, %dma_start3A_538] : memref<16x32x128xf32, #tpu.memory_space<vmem>> -> memref<1x32x128xf32, #tpu.memory_space<vmem>>
      %dma_start3A_540 = tpu.memref_squeeze %dma_start3A_539 : memref<1x32x128xf32, #tpu.memory_space<vmem>> -> memref<32x128xf32, #tpu.memory_space<vmem>>
      %dma_start3A_541 = arith.constant 0 : i32
      %dma_start3A_542 = tpu.memref_slice %arg3[%dma_start3A_541, %multiple_of3A_535] : memref<32x1000000xf32, #tpu.memory_space<hbm>> -> memref<32x128xf32, #tpu.memory_space<hbm>>
      %dma_start3A_543 = arith.constant 0 : i32
      %dma_start3A_544 = arith.constant 0 : i32
      %dma_start3A_545 = tpu.memref_slice %arg6[%dma_start3A_536, %dma_start3A_543, %dma_start3A_544] : memref<16x32x128xf32, #tpu.memory_space<vmem>> -> memref<1x32x128xf32, #tpu.memory_space<vmem>>
      %dma_start3A_546 = tpu.memref_squeeze %dma_start3A_545 : memref<1x32x128xf32, #tpu.memory_space<vmem>> -> memref<32x128xf32, #tpu.memory_space<vmem>>
      %dma_start3A_547 = arith.constant 0 : i32
      %dma_start3A_548 = tpu.memref_slice %arg3[%dma_start3A_547, %multiple_of3A_535] : memref<32x1000000xf32, #tpu.memory_space<hbm>> -> memref<32x128xf32, #tpu.memory_space<hbm>>
      tpu.enqueue_dma source(%dma_start3A_548 : memref<32x128xf32, #tpu.memory_space<hbm>>) target(%dma_start3A_546 : memref<32x128xf32, #tpu.memory_space<vmem>>) target_semaphore(%arg8 : memref<!tpu.dma_semaphore, #tpu.memory_space<semaphore_mem>>)
      %slice3A_549 = vector.extract_strided_slice %get3A_90 {offsets = [11], sizes = [1], strides = [1]} : vector<16xi32> to vector<1xi32>
      %squeeze3A_550 = vector.extract %slice3A_549[0] : i32 from vector<1xi32>
      %jit3A_551 = arith.constant 128 : i32
      %div3A_552 = arith.divsi %squeeze3A_550, %jit3A_551 : i32
      %sign3A_553 = arith.constant 0 : i32
      %sign3A_554 = arith.cmpi sgt, %squeeze3A_550, %sign3A_553 : i32
      %sign3A_555 = arith.extui %sign3A_554 : i1 to i32
      %sign3A_556 = arith.constant 0 : i32
      %sign3A_557 = arith.cmpi slt, %squeeze3A_550, %sign3A_556 : i32
      %sign3A_558 = arith.extui %sign3A_557 : i1 to i32
      %sign3A_559 = arith.subi %sign3A_555, %sign3A_558 : i32
      %sign3A_560 = arith.constant 0 : i32
      %sign3A_561 = arith.cmpi sgt, %jit3A_551, %sign3A_560 : i32
      %sign3A_562 = arith.extui %sign3A_561 : i1 to i32
      %sign3A_563 = arith.constant 0 : i32
      %sign3A_564 = arith.cmpi slt, %jit3A_551, %sign3A_563 : i32
      %sign3A_565 = arith.extui %sign3A_564 : i1 to i32
      %sign3A_566 = arith.subi %sign3A_562, %sign3A_565 : i32
      %ne3A_567 = arith.cmpi ne, %sign3A_559, %sign3A_566 : i32
      %rem3A_568 = arith.remsi %squeeze3A_550, %jit3A_551 : i32
      %ne3A_569 = arith.constant 0 : i32
      %ne3A_570 = arith.cmpi ne, %rem3A_568, %ne3A_569 : i32
      %and3A_571 = arith.andi %ne3A_567, %ne3A_570 : i1
      %sub3A_572 = arith.constant 1 : i32
      %sub3A_573 = arith.subi %div3A_552, %sub3A_572 : i32
      %select_n3A_574 = arith.select %and3A_571, %sub3A_573, %div3A_552 : i32
      %mul3A_575 = arith.constant 128 : i32
      %mul3A_576 = arith.muli %select_n3A_574, %mul3A_575 : i32
      %multiple_of3A_577 = tpu.assume_multiple %mul3A_576, 128 : i32
      %dma_start3A_578 = arith.constant 11 : i32
      %dma_start3A_579 = arith.constant 0 : i32
      %dma_start3A_580 = arith.constant 0 : i32
      %dma_start3A_581 = tpu.memref_slice %arg6[%dma_start3A_578, %dma_start3A_579, %dma_start3A_580] : memref<16x32x128xf32, #tpu.memory_space<vmem>> -> memref<1x32x128xf32, #tpu.memory_space<vmem>>
      %dma_start3A_582 = tpu.memref_squeeze %dma_start3A_581 : memref<1x32x128xf32, #tpu.memory_space<vmem>> -> memref<32x128xf32, #tpu.memory_space<vmem>>
      %dma_start3A_583 = arith.constant 0 : i32
      %dma_start3A_584 = tpu.memref_slice %arg3[%dma_start3A_583, %multiple_of3A_577] : memref<32x1000000xf32, #tpu.memory_space<hbm>> -> memref<32x128xf32, #tpu.memory_space<hbm>>
      %dma_start3A_585 = arith.constant 0 : i32
      %dma_start3A_586 = arith.constant 0 : i32
      %dma_start3A_587 = tpu.memref_slice %arg6[%dma_start3A_578, %dma_start3A_585, %dma_start3A_586] : memref<16x32x128xf32, #tpu.memory_space<vmem>> -> memref<1x32x128xf32, #tpu.memory_space<vmem>>
      %dma_start3A_588 = tpu.memref_squeeze %dma_start3A_587 : memref<1x32x128xf32, #tpu.memory_space<vmem>> -> memref<32x128xf32, #tpu.memory_space<vmem>>
      %dma_start3A_589 = arith.constant 0 : i32
      %dma_start3A_590 = tpu.memref_slice %arg3[%dma_start3A_589, %multiple_of3A_577] : memref<32x1000000xf32, #tpu.memory_space<hbm>> -> memref<32x128xf32, #tpu.memory_space<hbm>>
      tpu.enqueue_dma source(%dma_start3A_590 : memref<32x128xf32, #tpu.memory_space<hbm>>) target(%dma_start3A_588 : memref<32x128xf32, #tpu.memory_space<vmem>>) target_semaphore(%arg8 : memref<!tpu.dma_semaphore, #tpu.memory_space<semaphore_mem>>)
      %slice3A_591 = vector.extract_strided_slice %get3A_90 {offsets = [12], sizes = [1], strides = [1]} : vector<16xi32> to vector<1xi32>
      %squeeze3A_592 = vector.extract %slice3A_591[0] : i32 from vector<1xi32>
      %jit3A_593 = arith.constant 128 : i32
      %div3A_594 = arith.divsi %squeeze3A_592, %jit3A_593 : i32
      %sign3A_595 = arith.constant 0 : i32
      %sign3A_596 = arith.cmpi sgt, %squeeze3A_592, %sign3A_595 : i32
      %sign3A_597 = arith.extui %sign3A_596 : i1 to i32
      %sign3A_598 = arith.constant 0 : i32
      %sign3A_599 = arith.cmpi slt, %squeeze3A_592, %sign3A_598 : i32
      %sign3A_600 = arith.extui %sign3A_599 : i1 to i32
      %sign3A_601 = arith.subi %sign3A_597, %sign3A_600 : i32
      %sign3A_602 = arith.constant 0 : i32
      %sign3A_603 = arith.cmpi sgt, %jit3A_593, %sign3A_602 : i32
      %sign3A_604 = arith.extui %sign3A_603 : i1 to i32
      %sign3A_605 = arith.constant 0 : i32
      %sign3A_606 = arith.cmpi slt, %jit3A_593, %sign3A_605 : i32
      %sign3A_607 = arith.extui %sign3A_606 : i1 to i32
      %sign3A_608 = arith.subi %sign3A_604, %sign3A_607 : i32
      %ne3A_609 = arith.cmpi ne, %sign3A_601, %sign3A_608 : i32
      %rem3A_610 = arith.remsi %squeeze3A_592, %jit3A_593 : i32
      %ne3A_611 = arith.constant 0 : i32
      %ne3A_612 = arith.cmpi ne, %rem3A_610, %ne3A_611 : i32
      %and3A_613 = arith.andi %ne3A_609, %ne3A_612 : i1
      %sub3A_614 = arith.constant 1 : i32
      %sub3A_615 = arith.subi %div3A_594, %sub3A_614 : i32
      %select_n3A_616 = arith.select %and3A_613, %sub3A_615, %div3A_594 : i32
      %mul3A_617 = arith.constant 128 : i32
      %mul3A_618 = arith.muli %select_n3A_616, %mul3A_617 : i32
      %multiple_of3A_619 = tpu.assume_multiple %mul3A_618, 128 : i32
      %dma_start3A_620 = arith.constant 12 : i32
      %dma_start3A_621 = arith.constant 0 : i32
      %dma_start3A_622 = arith.constant 0 : i32
      %dma_start3A_623 = tpu.memref_slice %arg6[%dma_start3A_620, %dma_start3A_621, %dma_start3A_622] : memref<16x32x128xf32, #tpu.memory_space<vmem>> -> memref<1x32x128xf32, #tpu.memory_space<vmem>>
      %dma_start3A_624 = tpu.memref_squeeze %dma_start3A_623 : memref<1x32x128xf32, #tpu.memory_space<vmem>> -> memref<32x128xf32, #tpu.memory_space<vmem>>
      %dma_start3A_625 = arith.constant 0 : i32
      %dma_start3A_626 = tpu.memref_slice %arg3[%dma_start3A_625, %multiple_of3A_619] : memref<32x1000000xf32, #tpu.memory_space<hbm>> -> memref<32x128xf32, #tpu.memory_space<hbm>>
      %dma_start3A_627 = arith.constant 0 : i32
      %dma_start3A_628 = arith.constant 0 : i32
      %dma_start3A_629 = tpu.memref_slice %arg6[%dma_start3A_620, %dma_start3A_627, %dma_start3A_628] : memref<16x32x128xf32, #tpu.memory_space<vmem>> -> memref<1x32x128xf32, #tpu.memory_space<vmem>>
      %dma_start3A_630 = tpu.memref_squeeze %dma_start3A_629 : memref<1x32x128xf32, #tpu.memory_space<vmem>> -> memref<32x128xf32, #tpu.memory_space<vmem>>
      %dma_start3A_631 = arith.constant 0 : i32
      %dma_start3A_632 = tpu.memref_slice %arg3[%dma_start3A_631, %multiple_of3A_619] : memref<32x1000000xf32, #tpu.memory_space<hbm>> -> memref<32x128xf32, #tpu.memory_space<hbm>>
      tpu.enqueue_dma source(%dma_start3A_632 : memref<32x128xf32, #tpu.memory_space<hbm>>) target(%dma_start3A_630 : memref<32x128xf32, #tpu.memory_space<vmem>>) target_semaphore(%arg8 : memref<!tpu.dma_semaphore, #tpu.memory_space<semaphore_mem>>)
      %slice3A_633 = vector.extract_strided_slice %get3A_90 {offsets = [13], sizes = [1], strides = [1]} : vector<16xi32> to vector<1xi32>
      %squeeze3A_634 = vector.extract %slice3A_633[0] : i32 from vector<1xi32>
      %jit3A_635 = arith.constant 128 : i32
      %div3A_636 = arith.divsi %squeeze3A_634, %jit3A_635 : i32
      %sign3A_637 = arith.constant 0 : i32
      %sign3A_638 = arith.cmpi sgt, %squeeze3A_634, %sign3A_637 : i32
      %sign3A_639 = arith.extui %sign3A_638 : i1 to i32
      %sign3A_640 = arith.constant 0 : i32
      %sign3A_641 = arith.cmpi slt, %squeeze3A_634, %sign3A_640 : i32
      %sign3A_642 = arith.extui %sign3A_641 : i1 to i32
      %sign3A_643 = arith.subi %sign3A_639, %sign3A_642 : i32
      %sign3A_644 = arith.constant 0 : i32
      %sign3A_645 = arith.cmpi sgt, %jit3A_635, %sign3A_644 : i32
      %sign3A_646 = arith.extui %sign3A_645 : i1 to i32
      %sign3A_647 = arith.constant 0 : i32
      %sign3A_648 = arith.cmpi slt, %jit3A_635, %sign3A_647 : i32
      %sign3A_649 = arith.extui %sign3A_648 : i1 to i32
      %sign3A_650 = arith.subi %sign3A_646, %sign3A_649 : i32
      %ne3A_651 = arith.cmpi ne, %sign3A_643, %sign3A_650 : i32
      %rem3A_652 = arith.remsi %squeeze3A_634, %jit3A_635 : i32
      %ne3A_653 = arith.constant 0 : i32
      %ne3A_654 = arith.cmpi ne, %rem3A_652, %ne3A_653 : i32
      %and3A_655 = arith.andi %ne3A_651, %ne3A_654 : i1
      %sub3A_656 = arith.constant 1 : i32
      %sub3A_657 = arith.subi %div3A_636, %sub3A_656 : i32
      %select_n3A_658 = arith.select %and3A_655, %sub3A_657, %div3A_636 : i32
      %mul3A_659 = arith.constant 128 : i32
      %mul3A_660 = arith.muli %select_n3A_658, %mul3A_659 : i32
      %multiple_of3A_661 = tpu.assume_multiple %mul3A_660, 128 : i32
      %dma_start3A_662 = arith.constant 13 : i32
      %dma_start3A_663 = arith.constant 0 : i32
      %dma_start3A_664 = arith.constant 0 : i32
      %dma_start3A_665 = tpu.memref_slice %arg6[%dma_start3A_662, %dma_start3A_663, %dma_start3A_664] : memref<16x32x128xf32, #tpu.memory_space<vmem>> -> memref<1x32x128xf32, #tpu.memory_space<vmem>>
      %dma_start3A_666 = tpu.memref_squeeze %dma_start3A_665 : memref<1x32x128xf32, #tpu.memory_space<vmem>> -> memref<32x128xf32, #tpu.memory_space<vmem>>
      %dma_start3A_667 = arith.constant 0 : i32
      %dma_start3A_668 = tpu.memref_slice %arg3[%dma_start3A_667, %multiple_of3A_661] : memref<32x1000000xf32, #tpu.memory_space<hbm>> -> memref<32x128xf32, #tpu.memory_space<hbm>>
      %dma_start3A_669 = arith.constant 0 : i32
      %dma_start3A_670 = arith.constant 0 : i32
      %dma_start3A_671 = tpu.memref_slice %arg6[%dma_start3A_662, %dma_start3A_669, %dma_start3A_670] : memref<16x32x128xf32, #tpu.memory_space<vmem>> -> memref<1x32x128xf32, #tpu.memory_space<vmem>>
      %dma_start3A_672 = tpu.memref_squeeze %dma_start3A_671 : memref<1x32x128xf32, #tpu.memory_space<vmem>> -> memref<32x128xf32, #tpu.memory_space<vmem>>
      %dma_start3A_673 = arith.constant 0 : i32
      %dma_start3A_674 = tpu.memref_slice %arg3[%dma_start3A_673, %multiple_of3A_661] : memref<32x1000000xf32, #tpu.memory_space<hbm>> -> memref<32x128xf32, #tpu.memory_space<hbm>>
      tpu.enqueue_dma source(%dma_start3A_674 : memref<32x128xf32, #tpu.memory_space<hbm>>) target(%dma_start3A_672 : memref<32x128xf32, #tpu.memory_space<vmem>>) target_semaphore(%arg8 : memref<!tpu.dma_semaphore, #tpu.memory_space<semaphore_mem>>)
      %slice3A_675 = vector.extract_strided_slice %get3A_90 {offsets = [14], sizes = [1], strides = [1]} : vector<16xi32> to vector<1xi32>
      %squeeze3A_676 = vector.extract %slice3A_675[0] : i32 from vector<1xi32>
      %jit3A_677 = arith.constant 128 : i32
      %div3A_678 = arith.divsi %squeeze3A_676, %jit3A_677 : i32
      %sign3A_679 = arith.constant 0 : i32
      %sign3A_680 = arith.cmpi sgt, %squeeze3A_676, %sign3A_679 : i32
      %sign3A_681 = arith.extui %sign3A_680 : i1 to i32
      %sign3A_682 = arith.constant 0 : i32
      %sign3A_683 = arith.cmpi slt, %squeeze3A_676, %sign3A_682 : i32
      %sign3A_684 = arith.extui %sign3A_683 : i1 to i32
      %sign3A_685 = arith.subi %sign3A_681, %sign3A_684 : i32
      %sign3A_686 = arith.constant 0 : i32
      %sign3A_687 = arith.cmpi sgt, %jit3A_677, %sign3A_686 : i32
      %sign3A_688 = arith.extui %sign3A_687 : i1 to i32
      %sign3A_689 = arith.constant 0 : i32
      %sign3A_690 = arith.cmpi slt, %jit3A_677, %sign3A_689 : i32
      %sign3A_691 = arith.extui %sign3A_690 : i1 to i32
      %sign3A_692 = arith.subi %sign3A_688, %sign3A_691 : i32
      %ne3A_693 = arith.cmpi ne, %sign3A_685, %sign3A_692 : i32
      %rem3A_694 = arith.remsi %squeeze3A_676, %jit3A_677 : i32
      %ne3A_695 = arith.constant 0 : i32
      %ne3A_696 = arith.cmpi ne, %rem3A_694, %ne3A_695 : i32
      %and3A_697 = arith.andi %ne3A_693, %ne3A_696 : i1
      %sub3A_698 = arith.constant 1 : i32
      %sub3A_699 = arith.subi %div3A_678, %sub3A_698 : i32
      %select_n3A_700 = arith.select %and3A_697, %sub3A_699, %div3A_678 : i32
      %mul3A_701 = arith.constant 128 : i32
      %mul3A_702 = arith.muli %select_n3A_700, %mul3A_701 : i32
      %multiple_of3A_703 = tpu.assume_multiple %mul3A_702, 128 : i32
      %dma_start3A_704 = arith.constant 14 : i32
      %dma_start3A_705 = arith.constant 0 : i32
      %dma_start3A_706 = arith.constant 0 : i32
      %dma_start3A_707 = tpu.memref_slice %arg6[%dma_start3A_704, %dma_start3A_705, %dma_start3A_706] : memref<16x32x128xf32, #tpu.memory_space<vmem>> -> memref<1x32x128xf32, #tpu.memory_space<vmem>>
      %dma_start3A_708 = tpu.memref_squeeze %dma_start3A_707 : memref<1x32x128xf32, #tpu.memory_space<vmem>> -> memref<32x128xf32, #tpu.memory_space<vmem>>
      %dma_start3A_709 = arith.constant 0 : i32
      %dma_start3A_710 = tpu.memref_slice %arg3[%dma_start3A_709, %multiple_of3A_703] : memref<32x1000000xf32, #tpu.memory_space<hbm>> -> memref<32x128xf32, #tpu.memory_space<hbm>>
      %dma_start3A_711 = arith.constant 0 : i32
      %dma_start3A_712 = arith.constant 0 : i32
      %dma_start3A_713 = tpu.memref_slice %arg6[%dma_start3A_704, %dma_start3A_711, %dma_start3A_712] : memref<16x32x128xf32, #tpu.memory_space<vmem>> -> memref<1x32x128xf32, #tpu.memory_space<vmem>>
      %dma_start3A_714 = tpu.memref_squeeze %dma_start3A_713 : memref<1x32x128xf32, #tpu.memory_space<vmem>> -> memref<32x128xf32, #tpu.memory_space<vmem>>
      %dma_start3A_715 = arith.constant 0 : i32
      %dma_start3A_716 = tpu.memref_slice %arg3[%dma_start3A_715, %multiple_of3A_703] : memref<32x1000000xf32, #tpu.memory_space<hbm>> -> memref<32x128xf32, #tpu.memory_space<hbm>>
      tpu.enqueue_dma source(%dma_start3A_716 : memref<32x128xf32, #tpu.memory_space<hbm>>) target(%dma_start3A_714 : memref<32x128xf32, #tpu.memory_space<vmem>>) target_semaphore(%arg8 : memref<!tpu.dma_semaphore, #tpu.memory_space<semaphore_mem>>)
      %slice3A_717 = vector.extract_strided_slice %get3A_90 {offsets = [15], sizes = [1], strides = [1]} : vector<16xi32> to vector<1xi32>
      %squeeze3A_718 = vector.extract %slice3A_717[0] : i32 from vector<1xi32>
      %jit3A_719 = arith.constant 128 : i32
      %div3A_720 = arith.divsi %squeeze3A_718, %jit3A_719 : i32
      %sign3A_721 = arith.constant 0 : i32
      %sign3A_722 = arith.cmpi sgt, %squeeze3A_718, %sign3A_721 : i32
      %sign3A_723 = arith.extui %sign3A_722 : i1 to i32
      %sign3A_724 = arith.constant 0 : i32
      %sign3A_725 = arith.cmpi slt, %squeeze3A_718, %sign3A_724 : i32
      %sign3A_726 = arith.extui %sign3A_725 : i1 to i32
      %sign3A_727 = arith.subi %sign3A_723, %sign3A_726 : i32
      %sign3A_728 = arith.constant 0 : i32
      %sign3A_729 = arith.cmpi sgt, %jit3A_719, %sign3A_728 : i32
      %sign3A_730 = arith.extui %sign3A_729 : i1 to i32
      %sign3A_731 = arith.constant 0 : i32
      %sign3A_732 = arith.cmpi slt, %jit3A_719, %sign3A_731 : i32
      %sign3A_733 = arith.extui %sign3A_732 : i1 to i32
      %sign3A_734 = arith.subi %sign3A_730, %sign3A_733 : i32
      %ne3A_735 = arith.cmpi ne, %sign3A_727, %sign3A_734 : i32
      %rem3A_736 = arith.remsi %squeeze3A_718, %jit3A_719 : i32
      %ne3A_737 = arith.constant 0 : i32
      %ne3A_738 = arith.cmpi ne, %rem3A_736, %ne3A_737 : i32
      %and3A_739 = arith.andi %ne3A_735, %ne3A_738 : i1
      %sub3A_740 = arith.constant 1 : i32
      %sub3A_741 = arith.subi %div3A_720, %sub3A_740 : i32
      %select_n3A_742 = arith.select %and3A_739, %sub3A_741, %div3A_720 : i32
      %mul3A_743 = arith.constant 128 : i32
      %mul3A_744 = arith.muli %select_n3A_742, %mul3A_743 : i32
      %multiple_of3A_745 = tpu.assume_multiple %mul3A_744, 128 : i32
      %dma_start3A_746 = arith.constant 15 : i32
      %dma_start3A_747 = arith.constant 0 : i32
      %dma_start3A_748 = arith.constant 0 : i32
      %dma_start3A_749 = tpu.memref_slice %arg6[%dma_start3A_746, %dma_start3A_747, %dma_start3A_748] : memref<16x32x128xf32, #tpu.memory_space<vmem>> -> memref<1x32x128xf32, #tpu.memory_space<vmem>>
      %dma_start3A_750 = tpu.memref_squeeze %dma_start3A_749 : memref<1x32x128xf32, #tpu.memory_space<vmem>> -> memref<32x128xf32, #tpu.memory_space<vmem>>
      %dma_start3A_751 = arith.constant 0 : i32
      %dma_start3A_752 = tpu.memref_slice %arg3[%dma_start3A_751, %multiple_of3A_745] : memref<32x1000000xf32, #tpu.memory_space<hbm>> -> memref<32x128xf32, #tpu.memory_space<hbm>>
      %dma_start3A_753 = arith.constant 0 : i32
      %dma_start3A_754 = arith.constant 0 : i32
      %dma_start3A_755 = tpu.memref_slice %arg6[%dma_start3A_746, %dma_start3A_753, %dma_start3A_754] : memref<16x32x128xf32, #tpu.memory_space<vmem>> -> memref<1x32x128xf32, #tpu.memory_space<vmem>>
      %dma_start3A_756 = tpu.memref_squeeze %dma_start3A_755 : memref<1x32x128xf32, #tpu.memory_space<vmem>> -> memref<32x128xf32, #tpu.memory_space<vmem>>
      %dma_start3A_757 = arith.constant 0 : i32
      %dma_start3A_758 = tpu.memref_slice %arg3[%dma_start3A_757, %multiple_of3A_745] : memref<32x1000000xf32, #tpu.memory_space<hbm>> -> memref<32x128xf32, #tpu.memory_space<hbm>>
      tpu.enqueue_dma source(%dma_start3A_758 : memref<32x128xf32, #tpu.memory_space<hbm>>) target(%dma_start3A_756 : memref<32x128xf32, #tpu.memory_space<vmem>>) target_semaphore(%arg8 : memref<!tpu.dma_semaphore, #tpu.memory_space<semaphore_mem>>)
      %dma_wait3A = arith.constant 0 : i32
      %dma_wait3A_759 = arith.constant 0 : i32
      %dma_wait3A_760 = arith.constant 0 : i32
      %dma_wait3A_761 = tpu.memref_slice %arg6[%dma_wait3A, %dma_wait3A_759, %dma_wait3A_760] : memref<16x32x128xf32, #tpu.memory_space<vmem>> -> memref<1x32x128xf32, #tpu.memory_space<vmem>>
      %dma_wait3A_762 = tpu.memref_squeeze %dma_wait3A_761 : memref<1x32x128xf32, #tpu.memory_space<vmem>> -> memref<32x128xf32, #tpu.memory_space<vmem>>
      %dma_wait3A_763 = arith.constant 0 : i32
      %dma_wait3A_764 = arith.constant 0 : i32
      %dma_wait3A_765 = tpu.memref_slice %arg3[%dma_wait3A_763, %dma_wait3A_764] : memref<32x1000000xf32, #tpu.memory_space<hbm>> -> memref<32x128xf32, #tpu.memory_space<hbm>>
      %dma_wait3A_766 = arith.constant 0 : i32
      %dma_wait3A_767 = arith.constant 0 : i32
      %dma_wait3A_768 = tpu.memref_slice %arg6[%dma_wait3A, %dma_wait3A_766, %dma_wait3A_767] : memref<16x32x128xf32, #tpu.memory_space<vmem>> -> memref<1x32x128xf32, #tpu.memory_space<vmem>>
      %dma_wait3A_769 = tpu.memref_squeeze %dma_wait3A_768 : memref<1x32x128xf32, #tpu.memory_space<vmem>> -> memref<32x128xf32, #tpu.memory_space<vmem>>
      %dma_wait3A_770 = arith.constant 0 : i32
      %dma_wait3A_771 = arith.constant 0 : i32
      %dma_wait3A_772 = tpu.memref_slice %arg3[%dma_wait3A_770, %dma_wait3A_771] : memref<32x1000000xf32, #tpu.memory_space<hbm>> -> memref<32x128xf32, #tpu.memory_space<hbm>>
      tpu.wait_dma2 semaphore(%arg8 : memref<!tpu.dma_semaphore, #tpu.memory_space<semaphore_mem>>) src(%dma_wait3A_772 : memref<32x128xf32, #tpu.memory_space<hbm>>) dst(%dma_wait3A_769 : memref<32x128xf32, #tpu.memory_space<vmem>>)
      %dma_wait3A_773 = arith.constant 1 : i32
      %dma_wait3A_774 = arith.constant 0 : i32
      %dma_wait3A_775 = arith.constant 0 : i32
      %dma_wait3A_776 = tpu.memref_slice %arg6[%dma_wait3A_773, %dma_wait3A_774, %dma_wait3A_775] : memref<16x32x128xf32, #tpu.memory_space<vmem>> -> memref<1x32x128xf32, #tpu.memory_space<vmem>>
      %dma_wait3A_777 = tpu.memref_squeeze %dma_wait3A_776 : memref<1x32x128xf32, #tpu.memory_space<vmem>> -> memref<32x128xf32, #tpu.memory_space<vmem>>
      %dma_wait3A_778 = arith.constant 0 : i32
      %dma_wait3A_779 = arith.constant 0 : i32
      %dma_wait3A_780 = tpu.memref_slice %arg3[%dma_wait3A_778, %dma_wait3A_779] : memref<32x1000000xf32, #tpu.memory_space<hbm>> -> memref<32x128xf32, #tpu.memory_space<hbm>>
      %dma_wait3A_781 = arith.constant 0 : i32
      %dma_wait3A_782 = arith.constant 0 : i32
      %dma_wait3A_783 = tpu.memref_slice %arg6[%dma_wait3A_773, %dma_wait3A_781, %dma_wait3A_782] : memref<16x32x128xf32, #tpu.memory_space<vmem>> -> memref<1x32x128xf32, #tpu.memory_space<vmem>>
      %dma_wait3A_784 = tpu.memref_squeeze %dma_wait3A_783 : memref<1x32x128xf32, #tpu.memory_space<vmem>> -> memref<32x128xf32, #tpu.memory_space<vmem>>
      %dma_wait3A_785 = arith.constant 0 : i32
      %dma_wait3A_786 = arith.constant 0 : i32
      %dma_wait3A_787 = tpu.memref_slice %arg3[%dma_wait3A_785, %dma_wait3A_786] : memref<32x1000000xf32, #tpu.memory_space<hbm>> -> memref<32x128xf32, #tpu.memory_space<hbm>>
      tpu.wait_dma2 semaphore(%arg8 : memref<!tpu.dma_semaphore, #tpu.memory_space<semaphore_mem>>) src(%dma_wait3A_787 : memref<32x128xf32, #tpu.memory_space<hbm>>) dst(%dma_wait3A_784 : memref<32x128xf32, #tpu.memory_space<vmem>>)
      %dma_wait3A_788 = arith.constant 2 : i32
      %dma_wait3A_789 = arith.constant 0 : i32
      %dma_wait3A_790 = arith.constant 0 : i32
      %dma_wait3A_791 = tpu.memref_slice %arg6[%dma_wait3A_788, %dma_wait3A_789, %dma_wait3A_790] : memref<16x32x128xf32, #tpu.memory_space<vmem>> -> memref<1x32x128xf32, #tpu.memory_space<vmem>>
      %dma_wait3A_792 = tpu.memref_squeeze %dma_wait3A_791 : memref<1x32x128xf32, #tpu.memory_space<vmem>> -> memref<32x128xf32, #tpu.memory_space<vmem>>
      %dma_wait3A_793 = arith.constant 0 : i32
      %dma_wait3A_794 = arith.constant 0 : i32
      %dma_wait3A_795 = tpu.memref_slice %arg3[%dma_wait3A_793, %dma_wait3A_794] : memref<32x1000000xf32, #tpu.memory_space<hbm>> -> memref<32x128xf32, #tpu.memory_space<hbm>>
      %dma_wait3A_796 = arith.constant 0 : i32
      %dma_wait3A_797 = arith.constant 0 : i32
      %dma_wait3A_798 = tpu.memref_slice %arg6[%dma_wait3A_788, %dma_wait3A_796, %dma_wait3A_797] : memref<16x32x128xf32, #tpu.memory_space<vmem>> -> memref<1x32x128xf32, #tpu.memory_space<vmem>>
      %dma_wait3A_799 = tpu.memref_squeeze %dma_wait3A_798 : memref<1x32x128xf32, #tpu.memory_space<vmem>> -> memref<32x128xf32, #tpu.memory_space<vmem>>
      %dma_wait3A_800 = arith.constant 0 : i32
      %dma_wait3A_801 = arith.constant 0 : i32
      %dma_wait3A_802 = tpu.memref_slice %arg3[%dma_wait3A_800, %dma_wait3A_801] : memref<32x1000000xf32, #tpu.memory_space<hbm>> -> memref<32x128xf32, #tpu.memory_space<hbm>>
      tpu.wait_dma2 semaphore(%arg8 : memref<!tpu.dma_semaphore, #tpu.memory_space<semaphore_mem>>) src(%dma_wait3A_802 : memref<32x128xf32, #tpu.memory_space<hbm>>) dst(%dma_wait3A_799 : memref<32x128xf32, #tpu.memory_space<vmem>>)
      %dma_wait3A_803 = arith.constant 3 : i32
      %dma_wait3A_804 = arith.constant 0 : i32
      %dma_wait3A_805 = arith.constant 0 : i32
      %dma_wait3A_806 = tpu.memref_slice %arg6[%dma_wait3A_803, %dma_wait3A_804, %dma_wait3A_805] : memref<16x32x128xf32, #tpu.memory_space<vmem>> -> memref<1x32x128xf32, #tpu.memory_space<vmem>>
      %dma_wait3A_807 = tpu.memref_squeeze %dma_wait3A_806 : memref<1x32x128xf32, #tpu.memory_space<vmem>> -> memref<32x128xf32, #tpu.memory_space<vmem>>
      %dma_wait3A_808 = arith.constant 0 : i32
      %dma_wait3A_809 = arith.constant 0 : i32
      %dma_wait3A_810 = tpu.memref_slice %arg3[%dma_wait3A_808, %dma_wait3A_809] : memref<32x1000000xf32, #tpu.memory_space<hbm>> -> memref<32x128xf32, #tpu.memory_space<hbm>>
      %dma_wait3A_811 = arith.constant 0 : i32
      %dma_wait3A_812 = arith.constant 0 : i32
      %dma_wait3A_813 = tpu.memref_slice %arg6[%dma_wait3A_803, %dma_wait3A_811, %dma_wait3A_812] : memref<16x32x128xf32, #tpu.memory_space<vmem>> -> memref<1x32x128xf32, #tpu.memory_space<vmem>>
      %dma_wait3A_814 = tpu.memref_squeeze %dma_wait3A_813 : memref<1x32x128xf32, #tpu.memory_space<vmem>> -> memref<32x128xf32, #tpu.memory_space<vmem>>
      %dma_wait3A_815 = arith.constant 0 : i32
      %dma_wait3A_816 = arith.constant 0 : i32
      %dma_wait3A_817 = tpu.memref_slice %arg3[%dma_wait3A_815, %dma_wait3A_816] : memref<32x1000000xf32, #tpu.memory_space<hbm>> -> memref<32x128xf32, #tpu.memory_space<hbm>>
      tpu.wait_dma2 semaphore(%arg8 : memref<!tpu.dma_semaphore, #tpu.memory_space<semaphore_mem>>) src(%dma_wait3A_817 : memref<32x128xf32, #tpu.memory_space<hbm>>) dst(%dma_wait3A_814 : memref<32x128xf32, #tpu.memory_space<vmem>>)
      %dma_wait3A_818 = arith.constant 4 : i32
      %dma_wait3A_819 = arith.constant 0 : i32
      %dma_wait3A_820 = arith.constant 0 : i32
      %dma_wait3A_821 = tpu.memref_slice %arg6[%dma_wait3A_818, %dma_wait3A_819, %dma_wait3A_820] : memref<16x32x128xf32, #tpu.memory_space<vmem>> -> memref<1x32x128xf32, #tpu.memory_space<vmem>>
      %dma_wait3A_822 = tpu.memref_squeeze %dma_wait3A_821 : memref<1x32x128xf32, #tpu.memory_space<vmem>> -> memref<32x128xf32, #tpu.memory_space<vmem>>
      %dma_wait3A_823 = arith.constant 0 : i32
      %dma_wait3A_824 = arith.constant 0 : i32
      %dma_wait3A_825 = tpu.memref_slice %arg3[%dma_wait3A_823, %dma_wait3A_824] : memref<32x1000000xf32, #tpu.memory_space<hbm>> -> memref<32x128xf32, #tpu.memory_space<hbm>>
      %dma_wait3A_826 = arith.constant 0 : i32
      %dma_wait3A_827 = arith.constant 0 : i32
      %dma_wait3A_828 = tpu.memref_slice %arg6[%dma_wait3A_818, %dma_wait3A_826, %dma_wait3A_827] : memref<16x32x128xf32, #tpu.memory_space<vmem>> -> memref<1x32x128xf32, #tpu.memory_space<vmem>>
      %dma_wait3A_829 = tpu.memref_squeeze %dma_wait3A_828 : memref<1x32x128xf32, #tpu.memory_space<vmem>> -> memref<32x128xf32, #tpu.memory_space<vmem>>
      %dma_wait3A_830 = arith.constant 0 : i32
      %dma_wait3A_831 = arith.constant 0 : i32
      %dma_wait3A_832 = tpu.memref_slice %arg3[%dma_wait3A_830, %dma_wait3A_831] : memref<32x1000000xf32, #tpu.memory_space<hbm>> -> memref<32x128xf32, #tpu.memory_space<hbm>>
      tpu.wait_dma2 semaphore(%arg8 : memref<!tpu.dma_semaphore, #tpu.memory_space<semaphore_mem>>) src(%dma_wait3A_832 : memref<32x128xf32, #tpu.memory_space<hbm>>) dst(%dma_wait3A_829 : memref<32x128xf32, #tpu.memory_space<vmem>>)
      %dma_wait3A_833 = arith.constant 5 : i32
      %dma_wait3A_834 = arith.constant 0 : i32
      %dma_wait3A_835 = arith.constant 0 : i32
      %dma_wait3A_836 = tpu.memref_slice %arg6[%dma_wait3A_833, %dma_wait3A_834, %dma_wait3A_835] : memref<16x32x128xf32, #tpu.memory_space<vmem>> -> memref<1x32x128xf32, #tpu.memory_space<vmem>>
      %dma_wait3A_837 = tpu.memref_squeeze %dma_wait3A_836 : memref<1x32x128xf32, #tpu.memory_space<vmem>> -> memref<32x128xf32, #tpu.memory_space<vmem>>
      %dma_wait3A_838 = arith.constant 0 : i32
      %dma_wait3A_839 = arith.constant 0 : i32
      %dma_wait3A_840 = tpu.memref_slice %arg3[%dma_wait3A_838, %dma_wait3A_839] : memref<32x1000000xf32, #tpu.memory_space<hbm>> -> memref<32x128xf32, #tpu.memory_space<hbm>>
      %dma_wait3A_841 = arith.constant 0 : i32
      %dma_wait3A_842 = arith.constant 0 : i32
      %dma_wait3A_843 = tpu.memref_slice %arg6[%dma_wait3A_833, %dma_wait3A_841, %dma_wait3A_842] : memref<16x32x128xf32, #tpu.memory_space<vmem>> -> memref<1x32x128xf32, #tpu.memory_space<vmem>>
      %dma_wait3A_844 = tpu.memref_squeeze %dma_wait3A_843 : memref<1x32x128xf32, #tpu.memory_space<vmem>> -> memref<32x128xf32, #tpu.memory_space<vmem>>
      %dma_wait3A_845 = arith.constant 0 : i32
      %dma_wait3A_846 = arith.constant 0 : i32
      %dma_wait3A_847 = tpu.memref_slice %arg3[%dma_wait3A_845, %dma_wait3A_846] : memref<32x1000000xf32, #tpu.memory_space<hbm>> -> memref<32x128xf32, #tpu.memory_space<hbm>>
      tpu.wait_dma2 semaphore(%arg8 : memref<!tpu.dma_semaphore, #tpu.memory_space<semaphore_mem>>) src(%dma_wait3A_847 : memref<32x128xf32, #tpu.memory_space<hbm>>) dst(%dma_wait3A_844 : memref<32x128xf32, #tpu.memory_space<vmem>>)
      %dma_wait3A_848 = arith.constant 6 : i32
      %dma_wait3A_849 = arith.constant 0 : i32
      %dma_wait3A_850 = arith.constant 0 : i32
      %dma_wait3A_851 = tpu.memref_slice %arg6[%dma_wait3A_848, %dma_wait3A_849, %dma_wait3A_850] : memref<16x32x128xf32, #tpu.memory_space<vmem>> -> memref<1x32x128xf32, #tpu.memory_space<vmem>>
      %dma_wait3A_852 = tpu.memref_squeeze %dma_wait3A_851 : memref<1x32x128xf32, #tpu.memory_space<vmem>> -> memref<32x128xf32, #tpu.memory_space<vmem>>
      %dma_wait3A_853 = arith.constant 0 : i32
      %dma_wait3A_854 = arith.constant 0 : i32
      %dma_wait3A_855 = tpu.memref_slice %arg3[%dma_wait3A_853, %dma_wait3A_854] : memref<32x1000000xf32, #tpu.memory_space<hbm>> -> memref<32x128xf32, #tpu.memory_space<hbm>>
      %dma_wait3A_856 = arith.constant 0 : i32
      %dma_wait3A_857 = arith.constant 0 : i32
      %dma_wait3A_858 = tpu.memref_slice %arg6[%dma_wait3A_848, %dma_wait3A_856, %dma_wait3A_857] : memref<16x32x128xf32, #tpu.memory_space<vmem>> -> memref<1x32x128xf32, #tpu.memory_space<vmem>>
      %dma_wait3A_859 = tpu.memref_squeeze %dma_wait3A_858 : memref<1x32x128xf32, #tpu.memory_space<vmem>> -> memref<32x128xf32, #tpu.memory_space<vmem>>
      %dma_wait3A_860 = arith.constant 0 : i32
      %dma_wait3A_861 = arith.constant 0 : i32
      %dma_wait3A_862 = tpu.memref_slice %arg3[%dma_wait3A_860, %dma_wait3A_861] : memref<32x1000000xf32, #tpu.memory_space<hbm>> -> memref<32x128xf32, #tpu.memory_space<hbm>>
      tpu.wait_dma2 semaphore(%arg8 : memref<!tpu.dma_semaphore, #tpu.memory_space<semaphore_mem>>) src(%dma_wait3A_862 : memref<32x128xf32, #tpu.memory_space<hbm>>) dst(%dma_wait3A_859 : memref<32x128xf32, #tpu.memory_space<vmem>>)
      %dma_wait3A_863 = arith.constant 7 : i32
      %dma_wait3A_864 = arith.constant 0 : i32
      %dma_wait3A_865 = arith.constant 0 : i32
      %dma_wait3A_866 = tpu.memref_slice %arg6[%dma_wait3A_863, %dma_wait3A_864, %dma_wait3A_865] : memref<16x32x128xf32, #tpu.memory_space<vmem>> -> memref<1x32x128xf32, #tpu.memory_space<vmem>>
      %dma_wait3A_867 = tpu.memref_squeeze %dma_wait3A_866 : memref<1x32x128xf32, #tpu.memory_space<vmem>> -> memref<32x128xf32, #tpu.memory_space<vmem>>
      %dma_wait3A_868 = arith.constant 0 : i32
      %dma_wait3A_869 = arith.constant 0 : i32
      %dma_wait3A_870 = tpu.memref_slice %arg3[%dma_wait3A_868, %dma_wait3A_869] : memref<32x1000000xf32, #tpu.memory_space<hbm>> -> memref<32x128xf32, #tpu.memory_space<hbm>>
      %dma_wait3A_871 = arith.constant 0 : i32
      %dma_wait3A_872 = arith.constant 0 : i32
      %dma_wait3A_873 = tpu.memref_slice %arg6[%dma_wait3A_863, %dma_wait3A_871, %dma_wait3A_872] : memref<16x32x128xf32, #tpu.memory_space<vmem>> -> memref<1x32x128xf32, #tpu.memory_space<vmem>>
      %dma_wait3A_874 = tpu.memref_squeeze %dma_wait3A_873 : memref<1x32x128xf32, #tpu.memory_space<vmem>> -> memref<32x128xf32, #tpu.memory_space<vmem>>
      %dma_wait3A_875 = arith.constant 0 : i32
      %dma_wait3A_876 = arith.constant 0 : i32
      %dma_wait3A_877 = tpu.memref_slice %arg3[%dma_wait3A_875, %dma_wait3A_876] : memref<32x1000000xf32, #tpu.memory_space<hbm>> -> memref<32x128xf32, #tpu.memory_space<hbm>>
      tpu.wait_dma2 semaphore(%arg8 : memref<!tpu.dma_semaphore, #tpu.memory_space<semaphore_mem>>) src(%dma_wait3A_877 : memref<32x128xf32, #tpu.memory_space<hbm>>) dst(%dma_wait3A_874 : memref<32x128xf32, #tpu.memory_space<vmem>>)
      %dma_wait3A_878 = arith.constant 8 : i32
      %dma_wait3A_879 = arith.constant 0 : i32
      %dma_wait3A_880 = arith.constant 0 : i32
      %dma_wait3A_881 = tpu.memref_slice %arg6[%dma_wait3A_878, %dma_wait3A_879, %dma_wait3A_880] : memref<16x32x128xf32, #tpu.memory_space<vmem>> -> memref<1x32x128xf32, #tpu.memory_space<vmem>>
      %dma_wait3A_882 = tpu.memref_squeeze %dma_wait3A_881 : memref<1x32x128xf32, #tpu.memory_space<vmem>> -> memref<32x128xf32, #tpu.memory_space<vmem>>
      %dma_wait3A_883 = arith.constant 0 : i32
      %dma_wait3A_884 = arith.constant 0 : i32
      %dma_wait3A_885 = tpu.memref_slice %arg3[%dma_wait3A_883, %dma_wait3A_884] : memref<32x1000000xf32, #tpu.memory_space<hbm>> -> memref<32x128xf32, #tpu.memory_space<hbm>>
      %dma_wait3A_886 = arith.constant 0 : i32
      %dma_wait3A_887 = arith.constant 0 : i32
      %dma_wait3A_888 = tpu.memref_slice %arg6[%dma_wait3A_878, %dma_wait3A_886, %dma_wait3A_887] : memref<16x32x128xf32, #tpu.memory_space<vmem>> -> memref<1x32x128xf32, #tpu.memory_space<vmem>>
      %dma_wait3A_889 = tpu.memref_squeeze %dma_wait3A_888 : memref<1x32x128xf32, #tpu.memory_space<vmem>> -> memref<32x128xf32, #tpu.memory_space<vmem>>
      %dma_wait3A_890 = arith.constant 0 : i32
      %dma_wait3A_891 = arith.constant 0 : i32
      %dma_wait3A_892 = tpu.memref_slice %arg3[%dma_wait3A_890, %dma_wait3A_891] : memref<32x1000000xf32, #tpu.memory_space<hbm>> -> memref<32x128xf32, #tpu.memory_space<hbm>>
      tpu.wait_dma2 semaphore(%arg8 : memref<!tpu.dma_semaphore, #tpu.memory_space<semaphore_mem>>) src(%dma_wait3A_892 : memref<32x128xf32, #tpu.memory_space<hbm>>) dst(%dma_wait3A_889 : memref<32x128xf32, #tpu.memory_space<vmem>>)
      %dma_wait3A_893 = arith.constant 9 : i32
      %dma_wait3A_894 = arith.constant 0 : i32
      %dma_wait3A_895 = arith.constant 0 : i32
      %dma_wait3A_896 = tpu.memref_slice %arg6[%dma_wait3A_893, %dma_wait3A_894, %dma_wait3A_895] : memref<16x32x128xf32, #tpu.memory_space<vmem>> -> memref<1x32x128xf32, #tpu.memory_space<vmem>>
      %dma_wait3A_897 = tpu.memref_squeeze %dma_wait3A_896 : memref<1x32x128xf32, #tpu.memory_space<vmem>> -> memref<32x128xf32, #tpu.memory_space<vmem>>
      %dma_wait3A_898 = arith.constant 0 : i32
      %dma_wait3A_899 = arith.constant 0 : i32
      %dma_wait3A_900 = tpu.memref_slice %arg3[%dma_wait3A_898, %dma_wait3A_899] : memref<32x1000000xf32, #tpu.memory_space<hbm>> -> memref<32x128xf32, #tpu.memory_space<hbm>>
      %dma_wait3A_901 = arith.constant 0 : i32
      %dma_wait3A_902 = arith.constant 0 : i32
      %dma_wait3A_903 = tpu.memref_slice %arg6[%dma_wait3A_893, %dma_wait3A_901, %dma_wait3A_902] : memref<16x32x128xf32, #tpu.memory_space<vmem>> -> memref<1x32x128xf32, #tpu.memory_space<vmem>>
      %dma_wait3A_904 = tpu.memref_squeeze %dma_wait3A_903 : memref<1x32x128xf32, #tpu.memory_space<vmem>> -> memref<32x128xf32, #tpu.memory_space<vmem>>
      %dma_wait3A_905 = arith.constant 0 : i32
      %dma_wait3A_906 = arith.constant 0 : i32
      %dma_wait3A_907 = tpu.memref_slice %arg3[%dma_wait3A_905, %dma_wait3A_906] : memref<32x1000000xf32, #tpu.memory_space<hbm>> -> memref<32x128xf32, #tpu.memory_space<hbm>>
      tpu.wait_dma2 semaphore(%arg8 : memref<!tpu.dma_semaphore, #tpu.memory_space<semaphore_mem>>) src(%dma_wait3A_907 : memref<32x128xf32, #tpu.memory_space<hbm>>) dst(%dma_wait3A_904 : memref<32x128xf32, #tpu.memory_space<vmem>>)
      %dma_wait3A_908 = arith.constant 10 : i32
      %dma_wait3A_909 = arith.constant 0 : i32
      %dma_wait3A_910 = arith.constant 0 : i32
      %dma_wait3A_911 = tpu.memref_slice %arg6[%dma_wait3A_908, %dma_wait3A_909, %dma_wait3A_910] : memref<16x32x128xf32, #tpu.memory_space<vmem>> -> memref<1x32x128xf32, #tpu.memory_space<vmem>>
      %dma_wait3A_912 = tpu.memref_squeeze %dma_wait3A_911 : memref<1x32x128xf32, #tpu.memory_space<vmem>> -> memref<32x128xf32, #tpu.memory_space<vmem>>
      %dma_wait3A_913 = arith.constant 0 : i32
      %dma_wait3A_914 = arith.constant 0 : i32
      %dma_wait3A_915 = tpu.memref_slice %arg3[%dma_wait3A_913, %dma_wait3A_914] : memref<32x1000000xf32, #tpu.memory_space<hbm>> -> memref<32x128xf32, #tpu.memory_space<hbm>>
      %dma_wait3A_916 = arith.constant 0 : i32
      %dma_wait3A_917 = arith.constant 0 : i32
      %dma_wait3A_918 = tpu.memref_slice %arg6[%dma_wait3A_908, %dma_wait3A_916, %dma_wait3A_917] : memref<16x32x128xf32, #tpu.memory_space<vmem>> -> memref<1x32x128xf32, #tpu.memory_space<vmem>>
      %dma_wait3A_919 = tpu.memref_squeeze %dma_wait3A_918 : memref<1x32x128xf32, #tpu.memory_space<vmem>> -> memref<32x128xf32, #tpu.memory_space<vmem>>
      %dma_wait3A_920 = arith.constant 0 : i32
      %dma_wait3A_921 = arith.constant 0 : i32
      %dma_wait3A_922 = tpu.memref_slice %arg3[%dma_wait3A_920, %dma_wait3A_921] : memref<32x1000000xf32, #tpu.memory_space<hbm>> -> memref<32x128xf32, #tpu.memory_space<hbm>>
      tpu.wait_dma2 semaphore(%arg8 : memref<!tpu.dma_semaphore, #tpu.memory_space<semaphore_mem>>) src(%dma_wait3A_922 : memref<32x128xf32, #tpu.memory_space<hbm>>) dst(%dma_wait3A_919 : memref<32x128xf32, #tpu.memory_space<vmem>>)
      %dma_wait3A_923 = arith.constant 11 : i32
      %dma_wait3A_924 = arith.constant 0 : i32
      %dma_wait3A_925 = arith.constant 0 : i32
      %dma_wait3A_926 = tpu.memref_slice %arg6[%dma_wait3A_923, %dma_wait3A_924, %dma_wait3A_925] : memref<16x32x128xf32, #tpu.memory_space<vmem>> -> memref<1x32x128xf32, #tpu.memory_space<vmem>>
      %dma_wait3A_927 = tpu.memref_squeeze %dma_wait3A_926 : memref<1x32x128xf32, #tpu.memory_space<vmem>> -> memref<32x128xf32, #tpu.memory_space<vmem>>
      %dma_wait3A_928 = arith.constant 0 : i32
      %dma_wait3A_929 = arith.constant 0 : i32
      %dma_wait3A_930 = tpu.memref_slice %arg3[%dma_wait3A_928, %dma_wait3A_929] : memref<32x1000000xf32, #tpu.memory_space<hbm>> -> memref<32x128xf32, #tpu.memory_space<hbm>>
      %dma_wait3A_931 = arith.constant 0 : i32
      %dma_wait3A_932 = arith.constant 0 : i32
      %dma_wait3A_933 = tpu.memref_slice %arg6[%dma_wait3A_923, %dma_wait3A_931, %dma_wait3A_932] : memref<16x32x128xf32, #tpu.memory_space<vmem>> -> memref<1x32x128xf32, #tpu.memory_space<vmem>>
      %dma_wait3A_934 = tpu.memref_squeeze %dma_wait3A_933 : memref<1x32x128xf32, #tpu.memory_space<vmem>> -> memref<32x128xf32, #tpu.memory_space<vmem>>
      %dma_wait3A_935 = arith.constant 0 : i32
      %dma_wait3A_936 = arith.constant 0 : i32
      %dma_wait3A_937 = tpu.memref_slice %arg3[%dma_wait3A_935, %dma_wait3A_936] : memref<32x1000000xf32, #tpu.memory_space<hbm>> -> memref<32x128xf32, #tpu.memory_space<hbm>>
      tpu.wait_dma2 semaphore(%arg8 : memref<!tpu.dma_semaphore, #tpu.memory_space<semaphore_mem>>) src(%dma_wait3A_937 : memref<32x128xf32, #tpu.memory_space<hbm>>) dst(%dma_wait3A_934 : memref<32x128xf32, #tpu.memory_space<vmem>>)
      %dma_wait3A_938 = arith.constant 12 : i32
      %dma_wait3A_939 = arith.constant 0 : i32
      %dma_wait3A_940 = arith.constant 0 : i32
      %dma_wait3A_941 = tpu.memref_slice %arg6[%dma_wait3A_938, %dma_wait3A_939, %dma_wait3A_940] : memref<16x32x128xf32, #tpu.memory_space<vmem>> -> memref<1x32x128xf32, #tpu.memory_space<vmem>>
      %dma_wait3A_942 = tpu.memref_squeeze %dma_wait3A_941 : memref<1x32x128xf32, #tpu.memory_space<vmem>> -> memref<32x128xf32, #tpu.memory_space<vmem>>
      %dma_wait3A_943 = arith.constant 0 : i32
      %dma_wait3A_944 = arith.constant 0 : i32
      %dma_wait3A_945 = tpu.memref_slice %arg3[%dma_wait3A_943, %dma_wait3A_944] : memref<32x1000000xf32, #tpu.memory_space<hbm>> -> memref<32x128xf32, #tpu.memory_space<hbm>>
      %dma_wait3A_946 = arith.constant 0 : i32
      %dma_wait3A_947 = arith.constant 0 : i32
      %dma_wait3A_948 = tpu.memref_slice %arg6[%dma_wait3A_938, %dma_wait3A_946, %dma_wait3A_947] : memref<16x32x128xf32, #tpu.memory_space<vmem>> -> memref<1x32x128xf32, #tpu.memory_space<vmem>>
      %dma_wait3A_949 = tpu.memref_squeeze %dma_wait3A_948 : memref<1x32x128xf32, #tpu.memory_space<vmem>> -> memref<32x128xf32, #tpu.memory_space<vmem>>
      %dma_wait3A_950 = arith.constant 0 : i32
      %dma_wait3A_951 = arith.constant 0 : i32
      %dma_wait3A_952 = tpu.memref_slice %arg3[%dma_wait3A_950, %dma_wait3A_951] : memref<32x1000000xf32, #tpu.memory_space<hbm>> -> memref<32x128xf32, #tpu.memory_space<hbm>>
      tpu.wait_dma2 semaphore(%arg8 : memref<!tpu.dma_semaphore, #tpu.memory_space<semaphore_mem>>) src(%dma_wait3A_952 : memref<32x128xf32, #tpu.memory_space<hbm>>) dst(%dma_wait3A_949 : memref<32x128xf32, #tpu.memory_space<vmem>>)
      %dma_wait3A_953 = arith.constant 13 : i32
      %dma_wait3A_954 = arith.constant 0 : i32
      %dma_wait3A_955 = arith.constant 0 : i32
      %dma_wait3A_956 = tpu.memref_slice %arg6[%dma_wait3A_953, %dma_wait3A_954, %dma_wait3A_955] : memref<16x32x128xf32, #tpu.memory_space<vmem>> -> memref<1x32x128xf32, #tpu.memory_space<vmem>>
      %dma_wait3A_957 = tpu.memref_squeeze %dma_wait3A_956 : memref<1x32x128xf32, #tpu.memory_space<vmem>> -> memref<32x128xf32, #tpu.memory_space<vmem>>
      %dma_wait3A_958 = arith.constant 0 : i32
      %dma_wait3A_959 = arith.constant 0 : i32
      %dma_wait3A_960 = tpu.memref_slice %arg3[%dma_wait3A_958, %dma_wait3A_959] : memref<32x1000000xf32, #tpu.memory_space<hbm>> -> memref<32x128xf32, #tpu.memory_space<hbm>>
      %dma_wait3A_961 = arith.constant 0 : i32
      %dma_wait3A_962 = arith.constant 0 : i32
      %dma_wait3A_963 = tpu.memref_slice %arg6[%dma_wait3A_953, %dma_wait3A_961, %dma_wait3A_962] : memref<16x32x128xf32, #tpu.memory_space<vmem>> -> memref<1x32x128xf32, #tpu.memory_space<vmem>>
      %dma_wait3A_964 = tpu.memref_squeeze %dma_wait3A_963 : memref<1x32x128xf32, #tpu.memory_space<vmem>> -> memref<32x128xf32, #tpu.memory_space<vmem>>
      %dma_wait3A_965 = arith.constant 0 : i32
      %dma_wait3A_966 = arith.constant 0 : i32
      %dma_wait3A_967 = tpu.memref_slice %arg3[%dma_wait3A_965, %dma_wait3A_966] : memref<32x1000000xf32, #tpu.memory_space<hbm>> -> memref<32x128xf32, #tpu.memory_space<hbm>>
      tpu.wait_dma2 semaphore(%arg8 : memref<!tpu.dma_semaphore, #tpu.memory_space<semaphore_mem>>) src(%dma_wait3A_967 : memref<32x128xf32, #tpu.memory_space<hbm>>) dst(%dma_wait3A_964 : memref<32x128xf32, #tpu.memory_space<vmem>>)
      %dma_wait3A_968 = arith.constant 14 : i32
      %dma_wait3A_969 = arith.constant 0 : i32
      %dma_wait3A_970 = arith.constant 0 : i32
      %dma_wait3A_971 = tpu.memref_slice %arg6[%dma_wait3A_968, %dma_wait3A_969, %dma_wait3A_970] : memref<16x32x128xf32, #tpu.memory_space<vmem>> -> memref<1x32x128xf32, #tpu.memory_space<vmem>>
      %dma_wait3A_972 = tpu.memref_squeeze %dma_wait3A_971 : memref<1x32x128xf32, #tpu.memory_space<vmem>> -> memref<32x128xf32, #tpu.memory_space<vmem>>
      %dma_wait3A_973 = arith.constant 0 : i32
      %dma_wait3A_974 = arith.constant 0 : i32
      %dma_wait3A_975 = tpu.memref_slice %arg3[%dma_wait3A_973, %dma_wait3A_974] : memref<32x1000000xf32, #tpu.memory_space<hbm>> -> memref<32x128xf32, #tpu.memory_space<hbm>>
      %dma_wait3A_976 = arith.constant 0 : i32
      %dma_wait3A_977 = arith.constant 0 : i32
      %dma_wait3A_978 = tpu.memref_slice %arg6[%dma_wait3A_968, %dma_wait3A_976, %dma_wait3A_977] : memref<16x32x128xf32, #tpu.memory_space<vmem>> -> memref<1x32x128xf32, #tpu.memory_space<vmem>>
      %dma_wait3A_979 = tpu.memref_squeeze %dma_wait3A_978 : memref<1x32x128xf32, #tpu.memory_space<vmem>> -> memref<32x128xf32, #tpu.memory_space<vmem>>
      %dma_wait3A_980 = arith.constant 0 : i32
      %dma_wait3A_981 = arith.constant 0 : i32
      %dma_wait3A_982 = tpu.memref_slice %arg3[%dma_wait3A_980, %dma_wait3A_981] : memref<32x1000000xf32, #tpu.memory_space<hbm>> -> memref<32x128xf32, #tpu.memory_space<hbm>>
      tpu.wait_dma2 semaphore(%arg8 : memref<!tpu.dma_semaphore, #tpu.memory_space<semaphore_mem>>) src(%dma_wait3A_982 : memref<32x128xf32, #tpu.memory_space<hbm>>) dst(%dma_wait3A_979 : memref<32x128xf32, #tpu.memory_space<vmem>>)
      %dma_wait3A_983 = arith.constant 15 : i32
      %dma_wait3A_984 = arith.constant 0 : i32
      %dma_wait3A_985 = arith.constant 0 : i32
      %dma_wait3A_986 = tpu.memref_slice %arg6[%dma_wait3A_983, %dma_wait3A_984, %dma_wait3A_985] : memref<16x32x128xf32, #tpu.memory_space<vmem>> -> memref<1x32x128xf32, #tpu.memory_space<vmem>>
      %dma_wait3A_987 = tpu.memref_squeeze %dma_wait3A_986 : memref<1x32x128xf32, #tpu.memory_space<vmem>> -> memref<32x128xf32, #tpu.memory_space<vmem>>
      %dma_wait3A_988 = arith.constant 0 : i32
      %dma_wait3A_989 = arith.constant 0 : i32
      %dma_wait3A_990 = tpu.memref_slice %arg3[%dma_wait3A_988, %dma_wait3A_989] : memref<32x1000000xf32, #tpu.memory_space<hbm>> -> memref<32x128xf32, #tpu.memory_space<hbm>>
      %dma_wait3A_991 = arith.constant 0 : i32
      %dma_wait3A_992 = arith.constant 0 : i32
      %dma_wait3A_993 = tpu.memref_slice %arg6[%dma_wait3A_983, %dma_wait3A_991, %dma_wait3A_992] : memref<16x32x128xf32, #tpu.memory_space<vmem>> -> memref<1x32x128xf32, #tpu.memory_space<vmem>>
      %dma_wait3A_994 = tpu.memref_squeeze %dma_wait3A_993 : memref<1x32x128xf32, #tpu.memory_space<vmem>> -> memref<32x128xf32, #tpu.memory_space<vmem>>
      %dma_wait3A_995 = arith.constant 0 : i32
      %dma_wait3A_996 = arith.constant 0 : i32
      %dma_wait3A_997 = tpu.memref_slice %arg3[%dma_wait3A_995, %dma_wait3A_996] : memref<32x1000000xf32, #tpu.memory_space<hbm>> -> memref<32x128xf32, #tpu.memory_space<hbm>>
      tpu.wait_dma2 semaphore(%arg8 : memref<!tpu.dma_semaphore, #tpu.memory_space<semaphore_mem>>) src(%dma_wait3A_997 : memref<32x128xf32, #tpu.memory_space<hbm>>) dst(%dma_wait3A_994 : memref<32x128xf32, #tpu.memory_space<vmem>>)
      %slice3A_998 = vector.extract_strided_slice %get3A_90 {offsets = [0], sizes = [1], strides = [1]} : vector<16xi32> to vector<1xi32>
      %squeeze3A_999 = vector.extract %slice3A_998[0] : i32 from vector<1xi32>
      %rem3A_1000 = arith.constant 128 : i32
      %rem3A_1001 = arith.remsi %squeeze3A_999, %rem3A_1000 : i32
      %broadcast_in_dim3A = vector.broadcast %rem3A_1001 : i32 to vector<16xi32>
      %broadcast_in_dim3A_1002 = arith.constant 0 : i32
      %broadcast_in_dim3A_1003 = vector.broadcast %broadcast_in_dim3A_1002 : i32 to vector<16xi32>
      %mul3A_1004 = arith.constant 16 : i32
      %mul3A_1005 = arith.muli %scan3A_45, %mul3A_1004 : i32
      %add3A_1006 = arith.constant 0 : i32
      %add3A_1007 = arith.addi %mul3A_1005, %add3A_1006 : i32
      %broadcast_in_dim3A_1008 = vector.broadcast %add3A_1007 : i32 to vector<16xi32>
      %gather3A = tpu.vector_load_idx %arg6[%broadcast_in_dim3A_1003, %iota3A, %broadcast_in_dim3A] : memref<16x32x128xf32, #tpu.memory_space<vmem>>[vector<16xi32>, vector<16xi32>, vector<16xi32>], vector<16xf32>,
      %gather3A_1009 = tpu.vector_load_idx %arg6[%broadcast_in_dim3A_1003, %add3A_39, %broadcast_in_dim3A] : memref<16x32x128xf32, #tpu.memory_space<vmem>>[vector<16xi32>, vector<16xi32>, vector<16xi32>], vector<16xf32>,
      tpu.vector_store_idx %arg7[%iota3A, %broadcast_in_dim3A_1008], %gather3A : memref<32x512xf32, #tpu.memory_space<vmem>>[vector<16xi32>, vector<16xi32>], vector<16xf32>,
      tpu.vector_store_idx %arg7[%add3A_39, %broadcast_in_dim3A_1008], %gather3A_1009 : memref<32x512xf32, #tpu.memory_space<vmem>>[vector<16xi32>, vector<16xi32>], vector<16xf32>,
      %slice3A_1010 = vector.extract_strided_slice %get3A_90 {offsets = [1], sizes = [1], strides = [1]} : vector<16xi32> to vector<1xi32>
      %squeeze3A_1011 = vector.extract %slice3A_1010[0] : i32 from vector<1xi32>
      %rem3A_1012 = arith.constant 128 : i32
      %rem3A_1013 = arith.remsi %squeeze3A_1011, %rem3A_1012 : i32
      %broadcast_in_dim3A_1014 = vector.broadcast %rem3A_1013 : i32 to vector<16xi32>
      %broadcast_in_dim3A_1015 = arith.constant 1 : i32
      %broadcast_in_dim3A_1016 = vector.broadcast %broadcast_in_dim3A_1015 : i32 to vector<16xi32>
      %mul3A_1017 = arith.constant 16 : i32
      %mul3A_1018 = arith.muli %scan3A_45, %mul3A_1017 : i32
      %add3A_1019 = arith.constant 1 : i32
      %add3A_1020 = arith.addi %mul3A_1018, %add3A_1019 : i32
      %broadcast_in_dim3A_1021 = vector.broadcast %add3A_1020 : i32 to vector<16xi32>
      %gather3A_1022 = tpu.vector_load_idx %arg6[%broadcast_in_dim3A_1016, %iota3A, %broadcast_in_dim3A_1014] : memref<16x32x128xf32, #tpu.memory_space<vmem>>[vector<16xi32>, vector<16xi32>, vector<16xi32>], vector<16xf32>,
      %gather3A_1023 = tpu.vector_load_idx %arg6[%broadcast_in_dim3A_1016, %add3A_39, %broadcast_in_dim3A_1014] : memref<16x32x128xf32, #tpu.memory_space<vmem>>[vector<16xi32>, vector<16xi32>, vector<16xi32>], vector<16xf32>,
      tpu.vector_store_idx %arg7[%iota3A, %broadcast_in_dim3A_1021], %gather3A_1022 : memref<32x512xf32, #tpu.memory_space<vmem>>[vector<16xi32>, vector<16xi32>], vector<16xf32>,
      tpu.vector_store_idx %arg7[%add3A_39, %broadcast_in_dim3A_1021], %gather3A_1023 : memref<32x512xf32, #tpu.memory_space<vmem>>[vector<16xi32>, vector<16xi32>], vector<16xf32>,
      %slice3A_1024 = vector.extract_strided_slice %get3A_90 {offsets = [2], sizes = [1], strides = [1]} : vector<16xi32> to vector<1xi32>
      %squeeze3A_1025 = vector.extract %slice3A_1024[0] : i32 from vector<1xi32>
      %rem3A_1026 = arith.constant 128 : i32
      %rem3A_1027 = arith.remsi %squeeze3A_1025, %rem3A_1026 : i32
      %broadcast_in_dim3A_1028 = vector.broadcast %rem3A_1027 : i32 to vector<16xi32>
      %broadcast_in_dim3A_1029 = arith.constant 2 : i32
      %broadcast_in_dim3A_1030 = vector.broadcast %broadcast_in_dim3A_1029 : i32 to vector<16xi32>
      %mul3A_1031 = arith.constant 16 : i32
      %mul3A_1032 = arith.muli %scan3A_45, %mul3A_1031 : i32
      %add3A_1033 = arith.constant 2 : i32
      %add3A_1034 = arith.addi %mul3A_1032, %add3A_1033 : i32
      %broadcast_in_dim3A_1035 = vector.broadcast %add3A_1034 : i32 to vector<16xi32>
      %gather3A_1036 = tpu.vector_load_idx %arg6[%broadcast_in_dim3A_1030, %iota3A, %broadcast_in_dim3A_1028] : memref<16x32x128xf32, #tpu.memory_space<vmem>>[vector<16xi32>, vector<16xi32>, vector<16xi32>], vector<16xf32>,
      %gather3A_1037 = tpu.vector_load_idx %arg6[%broadcast_in_dim3A_1030, %add3A_39, %broadcast_in_dim3A_1028] : memref<16x32x128xf32, #tpu.memory_space<vmem>>[vector<16xi32>, vector<16xi32>, vector<16xi32>], vector<16xf32>,
      tpu.vector_store_idx %arg7[%iota3A, %broadcast_in_dim3A_1035], %gather3A_1036 : memref<32x512xf32, #tpu.memory_space<vmem>>[vector<16xi32>, vector<16xi32>], vector<16xf32>,
      tpu.vector_store_idx %arg7[%add3A_39, %broadcast_in_dim3A_1035], %gather3A_1037 : memref<32x512xf32, #tpu.memory_space<vmem>>[vector<16xi32>, vector<16xi32>], vector<16xf32>,
      %slice3A_1038 = vector.extract_strided_slice %get3A_90 {offsets = [3], sizes = [1], strides = [1]} : vector<16xi32> to vector<1xi32>
      %squeeze3A_1039 = vector.extract %slice3A_1038[0] : i32 from vector<1xi32>
      %rem3A_1040 = arith.constant 128 : i32
      %rem3A_1041 = arith.remsi %squeeze3A_1039, %rem3A_1040 : i32
      %broadcast_in_dim3A_1042 = vector.broadcast %rem3A_1041 : i32 to vector<16xi32>
      %broadcast_in_dim3A_1043 = arith.constant 3 : i32
      %broadcast_in_dim3A_1044 = vector.broadcast %broadcast_in_dim3A_1043 : i32 to vector<16xi32>
      %mul3A_1045 = arith.constant 16 : i32
      %mul3A_1046 = arith.muli %scan3A_45, %mul3A_1045 : i32
      %add3A_1047 = arith.constant 3 : i32
      %add3A_1048 = arith.addi %mul3A_1046, %add3A_1047 : i32
      %broadcast_in_dim3A_1049 = vector.broadcast %add3A_1048 : i32 to vector<16xi32>
      %gather3A_1050 = tpu.vector_load_idx %arg6[%broadcast_in_dim3A_1044, %iota3A, %broadcast_in_dim3A_1042] : memref<16x32x128xf32, #tpu.memory_space<vmem>>[vector<16xi32>, vector<16xi32>, vector<16xi32>], vector<16xf32>,
      %gather3A_1051 = tpu.vector_load_idx %arg6[%broadcast_in_dim3A_1044, %add3A_39, %broadcast_in_dim3A_1042] : memref<16x32x128xf32, #tpu.memory_space<vmem>>[vector<16xi32>, vector<16xi32>, vector<16xi32>], vector<16xf32>,
      tpu.vector_store_idx %arg7[%iota3A, %broadcast_in_dim3A_1049], %gather3A_1050 : memref<32x512xf32, #tpu.memory_space<vmem>>[vector<16xi32>, vector<16xi32>], vector<16xf32>,
      tpu.vector_store_idx %arg7[%add3A_39, %broadcast_in_dim3A_1049], %gather3A_1051 : memref<32x512xf32, #tpu.memory_space<vmem>>[vector<16xi32>, vector<16xi32>], vector<16xf32>,
      %slice3A_1052 = vector.extract_strided_slice %get3A_90 {offsets = [4], sizes = [1], strides = [1]} : vector<16xi32> to vector<1xi32>
      %squeeze3A_1053 = vector.extract %slice3A_1052[0] : i32 from vector<1xi32>
      %rem3A_1054 = arith.constant 128 : i32
      %rem3A_1055 = arith.remsi %squeeze3A_1053, %rem3A_1054 : i32
      %broadcast_in_dim3A_1056 = vector.broadcast %rem3A_1055 : i32 to vector<16xi32>
      %broadcast_in_dim3A_1057 = arith.constant 4 : i32
      %broadcast_in_dim3A_1058 = vector.broadcast %broadcast_in_dim3A_1057 : i32 to vector<16xi32>
      %mul3A_1059 = arith.constant 16 : i32
      %mul3A_1060 = arith.muli %scan3A_45, %mul3A_1059 : i32
      %add3A_1061 = arith.constant 4 : i32
      %add3A_1062 = arith.addi %mul3A_1060, %add3A_1061 : i32
      %broadcast_in_dim3A_1063 = vector.broadcast %add3A_1062 : i32 to vector<16xi32>
      %gather3A_1064 = tpu.vector_load_idx %arg6[%broadcast_in_dim3A_1058, %iota3A, %broadcast_in_dim3A_1056] : memref<16x32x128xf32, #tpu.memory_space<vmem>>[vector<16xi32>, vector<16xi32>, vector<16xi32>], vector<16xf32>,
      %gather3A_1065 = tpu.vector_load_idx %arg6[%broadcast_in_dim3A_1058, %add3A_39, %broadcast_in_dim3A_1056] : memref<16x32x128xf32, #tpu.memory_space<vmem>>[vector<16xi32>, vector<16xi32>, vector<16xi32>], vector<16xf32>,
      tpu.vector_store_idx %arg7[%iota3A, %broadcast_in_dim3A_1063], %gather3A_1064 : memref<32x512xf32, #tpu.memory_space<vmem>>[vector<16xi32>, vector<16xi32>], vector<16xf32>,
      tpu.vector_store_idx %arg7[%add3A_39, %broadcast_in_dim3A_1063], %gather3A_1065 : memref<32x512xf32, #tpu.memory_space<vmem>>[vector<16xi32>, vector<16xi32>], vector<16xf32>,
      %slice3A_1066 = vector.extract_strided_slice %get3A_90 {offsets = [5], sizes = [1], strides = [1]} : vector<16xi32> to vector<1xi32>
      %squeeze3A_1067 = vector.extract %slice3A_1066[0] : i32 from vector<1xi32>
      %rem3A_1068 = arith.constant 128 : i32
      %rem3A_1069 = arith.remsi %squeeze3A_1067, %rem3A_1068 : i32
      %broadcast_in_dim3A_1070 = vector.broadcast %rem3A_1069 : i32 to vector<16xi32>
      %broadcast_in_dim3A_1071 = arith.constant 5 : i32
      %broadcast_in_dim3A_1072 = vector.broadcast %broadcast_in_dim3A_1071 : i32 to vector<16xi32>
      %mul3A_1073 = arith.constant 16 : i32
      %mul3A_1074 = arith.muli %scan3A_45, %mul3A_1073 : i32
      %add3A_1075 = arith.constant 5 : i32
      %add3A_1076 = arith.addi %mul3A_1074, %add3A_1075 : i32
      %broadcast_in_dim3A_1077 = vector.broadcast %add3A_1076 : i32 to vector<16xi32>
      %gather3A_1078 = tpu.vector_load_idx %arg6[%broadcast_in_dim3A_1072, %iota3A, %broadcast_in_dim3A_1070] : memref<16x32x128xf32, #tpu.memory_space<vmem>>[vector<16xi32>, vector<16xi32>, vector<16xi32>], vector<16xf32>,
      %gather3A_1079 = tpu.vector_load_idx %arg6[%broadcast_in_dim3A_1072, %add3A_39, %broadcast_in_dim3A_1070] : memref<16x32x128xf32, #tpu.memory_space<vmem>>[vector<16xi32>, vector<16xi32>, vector<16xi32>], vector<16xf32>,
      tpu.vector_store_idx %arg7[%iota3A, %broadcast_in_dim3A_1077], %gather3A_1078 : memref<32x512xf32, #tpu.memory_space<vmem>>[vector<16xi32>, vector<16xi32>], vector<16xf32>,
      tpu.vector_store_idx %arg7[%add3A_39, %broadcast_in_dim3A_1077], %gather3A_1079 : memref<32x512xf32, #tpu.memory_space<vmem>>[vector<16xi32>, vector<16xi32>], vector<16xf32>,
      %slice3A_1080 = vector.extract_strided_slice %get3A_90 {offsets = [6], sizes = [1], strides = [1]} : vector<16xi32> to vector<1xi32>
      %squeeze3A_1081 = vector.extract %slice3A_1080[0] : i32 from vector<1xi32>
      %rem3A_1082 = arith.constant 128 : i32
      %rem3A_1083 = arith.remsi %squeeze3A_1081, %rem3A_1082 : i32
      %broadcast_in_dim3A_1084 = vector.broadcast %rem3A_1083 : i32 to vector<16xi32>
      %broadcast_in_dim3A_1085 = arith.constant 6 : i32
      %broadcast_in_dim3A_1086 = vector.broadcast %broadcast_in_dim3A_1085 : i32 to vector<16xi32>
      %mul3A_1087 = arith.constant 16 : i32
      %mul3A_1088 = arith.muli %scan3A_45, %mul3A_1087 : i32
      %add3A_1089 = arith.constant 6 : i32
      %add3A_1090 = arith.addi %mul3A_1088, %add3A_1089 : i32
      %broadcast_in_dim3A_1091 = vector.broadcast %add3A_1090 : i32 to vector<16xi32>
      %gather3A_1092 = tpu.vector_load_idx %arg6[%broadcast_in_dim3A_1086, %iota3A, %broadcast_in_dim3A_1084] : memref<16x32x128xf32, #tpu.memory_space<vmem>>[vector<16xi32>, vector<16xi32>, vector<16xi32>], vector<16xf32>,
      %gather3A_1093 = tpu.vector_load_idx %arg6[%broadcast_in_dim3A_1086, %add3A_39, %broadcast_in_dim3A_1084] : memref<16x32x128xf32, #tpu.memory_space<vmem>>[vector<16xi32>, vector<16xi32>, vector<16xi32>], vector<16xf32>,
      tpu.vector_store_idx %arg7[%iota3A, %broadcast_in_dim3A_1091], %gather3A_1092 : memref<32x512xf32, #tpu.memory_space<vmem>>[vector<16xi32>, vector<16xi32>], vector<16xf32>,
      tpu.vector_store_idx %arg7[%add3A_39, %broadcast_in_dim3A_1091], %gather3A_1093 : memref<32x512xf32, #tpu.memory_space<vmem>>[vector<16xi32>, vector<16xi32>], vector<16xf32>,
      %slice3A_1094 = vector.extract_strided_slice %get3A_90 {offsets = [7], sizes = [1], strides = [1]} : vector<16xi32> to vector<1xi32>
      %squeeze3A_1095 = vector.extract %slice3A_1094[0] : i32 from vector<1xi32>
      %rem3A_1096 = arith.constant 128 : i32
      %rem3A_1097 = arith.remsi %squeeze3A_1095, %rem3A_1096 : i32
      %broadcast_in_dim3A_1098 = vector.broadcast %rem3A_1097 : i32 to vector<16xi32>
      %broadcast_in_dim3A_1099 = arith.constant 7 : i32
      %broadcast_in_dim3A_1100 = vector.broadcast %broadcast_in_dim3A_1099 : i32 to vector<16xi32>
      %mul3A_1101 = arith.constant 16 : i32
      %mul3A_1102 = arith.muli %scan3A_45, %mul3A_1101 : i32
      %add3A_1103 = arith.constant 7 : i32
      %add3A_1104 = arith.addi %mul3A_1102, %add3A_1103 : i32
      %broadcast_in_dim3A_1105 = vector.broadcast %add3A_1104 : i32 to vector<16xi32>
      %gather3A_1106 = tpu.vector_load_idx %arg6[%broadcast_in_dim3A_1100, %iota3A, %broadcast_in_dim3A_1098] : memref<16x32x128xf32, #tpu.memory_space<vmem>>[vector<16xi32>, vector<16xi32>, vector<16xi32>], vector<16xf32>,
      %gather3A_1107 = tpu.vector_load_idx %arg6[%broadcast_in_dim3A_1100, %add3A_39, %broadcast_in_dim3A_1098] : memref<16x32x128xf32, #tpu.memory_space<vmem>>[vector<16xi32>, vector<16xi32>, vector<16xi32>], vector<16xf32>,
      tpu.vector_store_idx %arg7[%iota3A, %broadcast_in_dim3A_1105], %gather3A_1106 : memref<32x512xf32, #tpu.memory_space<vmem>>[vector<16xi32>, vector<16xi32>], vector<16xf32>,
      tpu.vector_store_idx %arg7[%add3A_39, %broadcast_in_dim3A_1105], %gather3A_1107 : memref<32x512xf32, #tpu.memory_space<vmem>>[vector<16xi32>, vector<16xi32>], vector<16xf32>,
      %slice3A_1108 = vector.extract_strided_slice %get3A_90 {offsets = [8], sizes = [1], strides = [1]} : vector<16xi32> to vector<1xi32>
      %squeeze3A_1109 = vector.extract %slice3A_1108[0] : i32 from vector<1xi32>
      %rem3A_1110 = arith.constant 128 : i32
      %rem3A_1111 = arith.remsi %squeeze3A_1109, %rem3A_1110 : i32
      %broadcast_in_dim3A_1112 = vector.broadcast %rem3A_1111 : i32 to vector<16xi32>
      %broadcast_in_dim3A_1113 = arith.constant 8 : i32
      %broadcast_in_dim3A_1114 = vector.broadcast %broadcast_in_dim3A_1113 : i32 to vector<16xi32>
      %mul3A_1115 = arith.constant 16 : i32
      %mul3A_1116 = arith.muli %scan3A_45, %mul3A_1115 : i32
      %add3A_1117 = arith.constant 8 : i32
      %add3A_1118 = arith.addi %mul3A_1116, %add3A_1117 : i32
      %broadcast_in_dim3A_1119 = vector.broadcast %add3A_1118 : i32 to vector<16xi32>
      %gather3A_1120 = tpu.vector_load_idx %arg6[%broadcast_in_dim3A_1114, %iota3A, %broadcast_in_dim3A_1112] : memref<16x32x128xf32, #tpu.memory_space<vmem>>[vector<16xi32>, vector<16xi32>, vector<16xi32>], vector<16xf32>,
      %gather3A_1121 = tpu.vector_load_idx %arg6[%broadcast_in_dim3A_1114, %add3A_39, %broadcast_in_dim3A_1112] : memref<16x32x128xf32, #tpu.memory_space<vmem>>[vector<16xi32>, vector<16xi32>, vector<16xi32>], vector<16xf32>,
      tpu.vector_store_idx %arg7[%iota3A, %broadcast_in_dim3A_1119], %gather3A_1120 : memref<32x512xf32, #tpu.memory_space<vmem>>[vector<16xi32>, vector<16xi32>], vector<16xf32>,
      tpu.vector_store_idx %arg7[%add3A_39, %broadcast_in_dim3A_1119], %gather3A_1121 : memref<32x512xf32, #tpu.memory_space<vmem>>[vector<16xi32>, vector<16xi32>], vector<16xf32>,
      %slice3A_1122 = vector.extract_strided_slice %get3A_90 {offsets = [9], sizes = [1], strides = [1]} : vector<16xi32> to vector<1xi32>
      %squeeze3A_1123 = vector.extract %slice3A_1122[0] : i32 from vector<1xi32>
      %rem3A_1124 = arith.constant 128 : i32
      %rem3A_1125 = arith.remsi %squeeze3A_1123, %rem3A_1124 : i32
      %broadcast_in_dim3A_1126 = vector.broadcast %rem3A_1125 : i32 to vector<16xi32>
      %broadcast_in_dim3A_1127 = arith.constant 9 : i32
      %broadcast_in_dim3A_1128 = vector.broadcast %broadcast_in_dim3A_1127 : i32 to vector<16xi32>
      %mul3A_1129 = arith.constant 16 : i32
      %mul3A_1130 = arith.muli %scan3A_45, %mul3A_1129 : i32
      %add3A_1131 = arith.constant 9 : i32
      %add3A_1132 = arith.addi %mul3A_1130, %add3A_1131 : i32
      %broadcast_in_dim3A_1133 = vector.broadcast %add3A_1132 : i32 to vector<16xi32>
      %gather3A_1134 = tpu.vector_load_idx %arg6[%broadcast_in_dim3A_1128, %iota3A, %broadcast_in_dim3A_1126] : memref<16x32x128xf32, #tpu.memory_space<vmem>>[vector<16xi32>, vector<16xi32>, vector<16xi32>], vector<16xf32>,
      %gather3A_1135 = tpu.vector_load_idx %arg6[%broadcast_in_dim3A_1128, %add3A_39, %broadcast_in_dim3A_1126] : memref<16x32x128xf32, #tpu.memory_space<vmem>>[vector<16xi32>, vector<16xi32>, vector<16xi32>], vector<16xf32>,
      tpu.vector_store_idx %arg7[%iota3A, %broadcast_in_dim3A_1133], %gather3A_1134 : memref<32x512xf32, #tpu.memory_space<vmem>>[vector<16xi32>, vector<16xi32>], vector<16xf32>,
      tpu.vector_store_idx %arg7[%add3A_39, %broadcast_in_dim3A_1133], %gather3A_1135 : memref<32x512xf32, #tpu.memory_space<vmem>>[vector<16xi32>, vector<16xi32>], vector<16xf32>,
      %slice3A_1136 = vector.extract_strided_slice %get3A_90 {offsets = [10], sizes = [1], strides = [1]} : vector<16xi32> to vector<1xi32>
      %squeeze3A_1137 = vector.extract %slice3A_1136[0] : i32 from vector<1xi32>
      %rem3A_1138 = arith.constant 128 : i32
      %rem3A_1139 = arith.remsi %squeeze3A_1137, %rem3A_1138 : i32
      %broadcast_in_dim3A_1140 = vector.broadcast %rem3A_1139 : i32 to vector<16xi32>
      %broadcast_in_dim3A_1141 = arith.constant 10 : i32
      %broadcast_in_dim3A_1142 = vector.broadcast %broadcast_in_dim3A_1141 : i32 to vector<16xi32>
      %mul3A_1143 = arith.constant 16 : i32
      %mul3A_1144 = arith.muli %scan3A_45, %mul3A_1143 : i32
      %add3A_1145 = arith.constant 10 : i32
      %add3A_1146 = arith.addi %mul3A_1144, %add3A_1145 : i32
      %broadcast_in_dim3A_1147 = vector.broadcast %add3A_1146 : i32 to vector<16xi32>
      %gather3A_1148 = tpu.vector_load_idx %arg6[%broadcast_in_dim3A_1142, %iota3A, %broadcast_in_dim3A_1140] : memref<16x32x128xf32, #tpu.memory_space<vmem>>[vector<16xi32>, vector<16xi32>, vector<16xi32>], vector<16xf32>,
      %gather3A_1149 = tpu.vector_load_idx %arg6[%broadcast_in_dim3A_1142, %add3A_39, %broadcast_in_dim3A_1140] : memref<16x32x128xf32, #tpu.memory_space<vmem>>[vector<16xi32>, vector<16xi32>, vector<16xi32>], vector<16xf32>,
      tpu.vector_store_idx %arg7[%iota3A, %broadcast_in_dim3A_1147], %gather3A_1148 : memref<32x512xf32, #tpu.memory_space<vmem>>[vector<16xi32>, vector<16xi32>], vector<16xf32>,
      tpu.vector_store_idx %arg7[%add3A_39, %broadcast_in_dim3A_1147], %gather3A_1149 : memref<32x512xf32, #tpu.memory_space<vmem>>[vector<16xi32>, vector<16xi32>], vector<16xf32>,
      %slice3A_1150 = vector.extract_strided_slice %get3A_90 {offsets = [11], sizes = [1], strides = [1]} : vector<16xi32> to vector<1xi32>
      %squeeze3A_1151 = vector.extract %slice3A_1150[0] : i32 from vector<1xi32>
      %rem3A_1152 = arith.constant 128 : i32
      %rem3A_1153 = arith.remsi %squeeze3A_1151, %rem3A_1152 : i32
      %broadcast_in_dim3A_1154 = vector.broadcast %rem3A_1153 : i32 to vector<16xi32>
      %broadcast_in_dim3A_1155 = arith.constant 11 : i32
      %broadcast_in_dim3A_1156 = vector.broadcast %broadcast_in_dim3A_1155 : i32 to vector<16xi32>
      %mul3A_1157 = arith.constant 16 : i32
      %mul3A_1158 = arith.muli %scan3A_45, %mul3A_1157 : i32
      %add3A_1159 = arith.constant 11 : i32
      %add3A_1160 = arith.addi %mul3A_1158, %add3A_1159 : i32
      %broadcast_in_dim3A_1161 = vector.broadcast %add3A_1160 : i32 to vector<16xi32>
      %gather3A_1162 = tpu.vector_load_idx %arg6[%broadcast_in_dim3A_1156, %iota3A, %broadcast_in_dim3A_1154] : memref<16x32x128xf32, #tpu.memory_space<vmem>>[vector<16xi32>, vector<16xi32>, vector<16xi32>], vector<16xf32>,
      %gather3A_1163 = tpu.vector_load_idx %arg6[%broadcast_in_dim3A_1156, %add3A_39, %broadcast_in_dim3A_1154] : memref<16x32x128xf32, #tpu.memory_space<vmem>>[vector<16xi32>, vector<16xi32>, vector<16xi32>], vector<16xf32>,
      tpu.vector_store_idx %arg7[%iota3A, %broadcast_in_dim3A_1161], %gather3A_1162 : memref<32x512xf32, #tpu.memory_space<vmem>>[vector<16xi32>, vector<16xi32>], vector<16xf32>,
      tpu.vector_store_idx %arg7[%add3A_39, %broadcast_in_dim3A_1161], %gather3A_1163 : memref<32x512xf32, #tpu.memory_space<vmem>>[vector<16xi32>, vector<16xi32>], vector<16xf32>,
      %slice3A_1164 = vector.extract_strided_slice %get3A_90 {offsets = [12], sizes = [1], strides = [1]} : vector<16xi32> to vector<1xi32>
      %squeeze3A_1165 = vector.extract %slice3A_1164[0] : i32 from vector<1xi32>
      %rem3A_1166 = arith.constant 128 : i32
      %rem3A_1167 = arith.remsi %squeeze3A_1165, %rem3A_1166 : i32
      %broadcast_in_dim3A_1168 = vector.broadcast %rem3A_1167 : i32 to vector<16xi32>
      %broadcast_in_dim3A_1169 = arith.constant 12 : i32
      %broadcast_in_dim3A_1170 = vector.broadcast %broadcast_in_dim3A_1169 : i32 to vector<16xi32>
      %mul3A_1171 = arith.constant 16 : i32
      %mul3A_1172 = arith.muli %scan3A_45, %mul3A_1171 : i32
      %add3A_1173 = arith.constant 12 : i32
      %add3A_1174 = arith.addi %mul3A_1172, %add3A_1173 : i32
      %broadcast_in_dim3A_1175 = vector.broadcast %add3A_1174 : i32 to vector<16xi32>
      %gather3A_1176 = tpu.vector_load_idx %arg6[%broadcast_in_dim3A_1170, %iota3A, %broadcast_in_dim3A_1168] : memref<16x32x128xf32, #tpu.memory_space<vmem>>[vector<16xi32>, vector<16xi32>, vector<16xi32>], vector<16xf32>,
      %gather3A_1177 = tpu.vector_load_idx %arg6[%broadcast_in_dim3A_1170, %add3A_39, %broadcast_in_dim3A_1168] : memref<16x32x128xf32, #tpu.memory_space<vmem>>[vector<16xi32>, vector<16xi32>, vector<16xi32>], vector<16xf32>,
      tpu.vector_store_idx %arg7[%iota3A, %broadcast_in_dim3A_1175], %gather3A_1176 : memref<32x512xf32, #tpu.memory_space<vmem>>[vector<16xi32>, vector<16xi32>], vector<16xf32>,
      tpu.vector_store_idx %arg7[%add3A_39, %broadcast_in_dim3A_1175], %gather3A_1177 : memref<32x512xf32, #tpu.memory_space<vmem>>[vector<16xi32>, vector<16xi32>], vector<16xf32>,
      %slice3A_1178 = vector.extract_strided_slice %get3A_90 {offsets = [13], sizes = [1], strides = [1]} : vector<16xi32> to vector<1xi32>
      %squeeze3A_1179 = vector.extract %slice3A_1178[0] : i32 from vector<1xi32>
      %rem3A_1180 = arith.constant 128 : i32
      %rem3A_1181 = arith.remsi %squeeze3A_1179, %rem3A_1180 : i32
      %broadcast_in_dim3A_1182 = vector.broadcast %rem3A_1181 : i32 to vector<16xi32>
      %broadcast_in_dim3A_1183 = arith.constant 13 : i32
      %broadcast_in_dim3A_1184 = vector.broadcast %broadcast_in_dim3A_1183 : i32 to vector<16xi32>
      %mul3A_1185 = arith.constant 16 : i32
      %mul3A_1186 = arith.muli %scan3A_45, %mul3A_1185 : i32
      %add3A_1187 = arith.constant 13 : i32
      %add3A_1188 = arith.addi %mul3A_1186, %add3A_1187 : i32
      %broadcast_in_dim3A_1189 = vector.broadcast %add3A_1188 : i32 to vector<16xi32>
      %gather3A_1190 = tpu.vector_load_idx %arg6[%broadcast_in_dim3A_1184, %iota3A, %broadcast_in_dim3A_1182] : memref<16x32x128xf32, #tpu.memory_space<vmem>>[vector<16xi32>, vector<16xi32>, vector<16xi32>], vector<16xf32>,
      %gather3A_1191 = tpu.vector_load_idx %arg6[%broadcast_in_dim3A_1184, %add3A_39, %broadcast_in_dim3A_1182] : memref<16x32x128xf32, #tpu.memory_space<vmem>>[vector<16xi32>, vector<16xi32>, vector<16xi32>], vector<16xf32>,
      tpu.vector_store_idx %arg7[%iota3A, %broadcast_in_dim3A_1189], %gather3A_1190 : memref<32x512xf32, #tpu.memory_space<vmem>>[vector<16xi32>, vector<16xi32>], vector<16xf32>,
      tpu.vector_store_idx %arg7[%add3A_39, %broadcast_in_dim3A_1189], %gather3A_1191 : memref<32x512xf32, #tpu.memory_space<vmem>>[vector<16xi32>, vector<16xi32>], vector<16xf32>,
      %slice3A_1192 = vector.extract_strided_slice %get3A_90 {offsets = [14], sizes = [1], strides = [1]} : vector<16xi32> to vector<1xi32>
      %squeeze3A_1193 = vector.extract %slice3A_1192[0] : i32 from vector<1xi32>
      %rem3A_1194 = arith.constant 128 : i32
      %rem3A_1195 = arith.remsi %squeeze3A_1193, %rem3A_1194 : i32
      %broadcast_in_dim3A_1196 = vector.broadcast %rem3A_1195 : i32 to vector<16xi32>
      %broadcast_in_dim3A_1197 = arith.constant 14 : i32
      %broadcast_in_dim3A_1198 = vector.broadcast %broadcast_in_dim3A_1197 : i32 to vector<16xi32>
      %mul3A_1199 = arith.constant 16 : i32
      %mul3A_1200 = arith.muli %scan3A_45, %mul3A_1199 : i32
      %add3A_1201 = arith.constant 14 : i32
      %add3A_1202 = arith.addi %mul3A_1200, %add3A_1201 : i32
      %broadcast_in_dim3A_1203 = vector.broadcast %add3A_1202 : i32 to vector<16xi32>
      %gather3A_1204 = tpu.vector_load_idx %arg6[%broadcast_in_dim3A_1198, %iota3A, %broadcast_in_dim3A_1196] : memref<16x32x128xf32, #tpu.memory_space<vmem>>[vector<16xi32>, vector<16xi32>, vector<16xi32>], vector<16xf32>,
      %gather3A_1205 = tpu.vector_load_idx %arg6[%broadcast_in_dim3A_1198, %add3A_39, %broadcast_in_dim3A_1196] : memref<16x32x128xf32, #tpu.memory_space<vmem>>[vector<16xi32>, vector<16xi32>, vector<16xi32>], vector<16xf32>,
      tpu.vector_store_idx %arg7[%iota3A, %broadcast_in_dim3A_1203], %gather3A_1204 : memref<32x512xf32, #tpu.memory_space<vmem>>[vector<16xi32>, vector<16xi32>], vector<16xf32>,
      tpu.vector_store_idx %arg7[%add3A_39, %broadcast_in_dim3A_1203], %gather3A_1205 : memref<32x512xf32, #tpu.memory_space<vmem>>[vector<16xi32>, vector<16xi32>], vector<16xf32>,
      %slice3A_1206 = vector.extract_strided_slice %get3A_90 {offsets = [15], sizes = [1], strides = [1]} : vector<16xi32> to vector<1xi32>
      %squeeze3A_1207 = vector.extract %slice3A_1206[0] : i32 from vector<1xi32>
      %rem3A_1208 = arith.constant 128 : i32
      %rem3A_1209 = arith.remsi %squeeze3A_1207, %rem3A_1208 : i32
      %broadcast_in_dim3A_1210 = vector.broadcast %rem3A_1209 : i32 to vector<16xi32>
      %broadcast_in_dim3A_1211 = arith.constant 15 : i32
      %broadcast_in_dim3A_1212 = vector.broadcast %broadcast_in_dim3A_1211 : i32 to vector<16xi32>
      %mul3A_1213 = arith.constant 16 : i32
      %mul3A_1214 = arith.muli %scan3A_45, %mul3A_1213 : i32
      %add3A_1215 = arith.constant 15 : i32
      %add3A_1216 = arith.addi %mul3A_1214, %add3A_1215 : i32
      %broadcast_in_dim3A_1217 = vector.broadcast %add3A_1216 : i32 to vector<16xi32>
      %gather3A_1218 = tpu.vector_load_idx %arg6[%broadcast_in_dim3A_1212, %iota3A, %broadcast_in_dim3A_1210] : memref<16x32x128xf32, #tpu.memory_space<vmem>>[vector<16xi32>, vector<16xi32>, vector<16xi32>], vector<16xf32>,
      %gather3A_1219 = tpu.vector_load_idx %arg6[%broadcast_in_dim3A_1212, %add3A_39, %broadcast_in_dim3A_1210] : memref<16x32x128xf32, #tpu.memory_space<vmem>>[vector<16xi32>, vector<16xi32>, vector<16xi32>], vector<16xf32>,
      tpu.vector_store_idx %arg7[%iota3A, %broadcast_in_dim3A_1217], %gather3A_1218 : memref<32x512xf32, #tpu.memory_space<vmem>>[vector<16xi32>, vector<16xi32>], vector<16xf32>,
      tpu.vector_store_idx %arg7[%add3A_39, %broadcast_in_dim3A_1217], %gather3A_1219 : memref<32x512xf32, #tpu.memory_space<vmem>>[vector<16xi32>, vector<16xi32>], vector<16xf32>,
    }
    %scan3A_44 = arith.constant 32 : i32
    "tpu.region"() ({
      %run_scoped3A = tpu.sem_alloc : memref<!tpu.dma_semaphore, #tpu.memory_space<semaphore_mem>>
      %dma_start3A = arith.constant 0 : i32
      %dma_start3A_45 = tpu.memref_slice %arg4[%dma_start3A, %mul3A_2] : memref<32x16384xf32, #tpu.memory_space<hbm>> -> memref<32x512xf32, #tpu.memory_space<hbm>>
      %dma_start3A_46 = arith.constant 0 : i32
      %dma_start3A_47 = tpu.memref_slice %arg4[%dma_start3A_46, %mul3A_2] : memref<32x16384xf32, #tpu.memory_space<hbm>> -> memref<32x512xf32, #tpu.memory_space<hbm>>
      tpu.enqueue_dma source(%arg7 : memref<32x512xf32, #tpu.memory_space<vmem>>) target(%dma_start3A_47 : memref<32x512xf32, #tpu.memory_space<hbm>>) target_semaphore(%run_scoped3A : memref<!tpu.dma_semaphore, #tpu.memory_space<semaphore_mem>>)
      %dma_wait3A = arith.constant 0 : i32
      %dma_wait3A_48 = tpu.memref_slice %arg4[%dma_wait3A, %mul3A_2] : memref<32x16384xf32, #tpu.memory_space<hbm>> -> memref<32x512xf32, #tpu.memory_space<hbm>>
      %dma_wait3A_49 = arith.constant 0 : i32
      %dma_wait3A_50 = tpu.memref_slice %arg4[%dma_wait3A_49, %mul3A_2] : memref<32x16384xf32, #tpu.memory_space<hbm>> -> memref<32x512xf32, #tpu.memory_space<hbm>>
      tpu.wait_dma2 semaphore(%run_scoped3A : memref<!tpu.dma_semaphore, #tpu.memory_space<semaphore_mem>>) src(%arg7 : memref<32x512xf32, #tpu.memory_space<vmem>>) dst(%dma_wait3A_50 : memref<32x512xf32, #tpu.memory_space<hbm>>)
      tpu.yield
    }) : () -> ()
    return
  }
}

module attributes {stable_mosaic.version = 14 : i64} {
  func.func @mlp_kernel(%arg0: i32, %arg1: memref<32x2048xf32, #tpu.memory_space<vmem>>, %arg2: memref<32x32xf32, #tpu.memory_space<vmem>>, %arg3: memref<32x1xf32, #tpu.memory_space<vmem>>, %arg4: memref<32x32xf32, #tpu.memory_space<vmem>>, %arg5: memref<32x1xf32, #tpu.memory_space<vmem>>, %arg6: memref<32x2048xf32, #tpu.memory_space<vmem>>) attributes {dimension_semantics = [#tpu.dimension_semantics<arbitrary>], iteration_bounds = array<i64: 8>, scalar_prefetch = 0 : i64, scratch_operands = 0 : i64, tpu.core_type = #tpu.core_type<tc>, window_params = [{transform_indices = @transform_0, window_bounds = array<i64: 32, 2048>}, {pipeline_mode = #tpu.pipeline_mode<synchronous>, transform_indices = @transform_1, window_bounds = array<i64: 32, 32>}, {pipeline_mode = #tpu.pipeline_mode<synchronous>, transform_indices = @transform_2, window_bounds = array<i64: 32, 1>}, {pipeline_mode = #tpu.pipeline_mode<synchronous>, transform_indices = @transform_3, window_bounds = array<i64: 32, 32>}, {pipeline_mode = #tpu.pipeline_mode<synchronous>, transform_indices = @transform_4, window_bounds = array<i64: 32, 1>}, {transform_indices = @transform_5, window_bounds = array<i64: 32, 2048>}]} {
    %get3A = arith.constant 0 : index
    %get3A_0 = arith.constant 0 : index
    %get3A_1 = vector.load %arg2[%get3A, %get3A_0] : memref<32x32xf32, #tpu.memory_space<vmem>>, vector<32x32xf32>
    %get3A_2 = arith.constant 0 : index
    %get3A_3 = arith.constant 0 : index
    %get3A_4 = vector.load %arg1[%get3A_2, %get3A_3] : memref<32x2048xf32, #tpu.memory_space<vmem>>, vector<32x2048xf32>
    %dot_general3A = arith.constant dense<0.000000e+00> : vector<32x2048xf32>
    %dot_general3A_5 = tpu.matmul %get3A_1, %get3A_4, %dot_general3A {dimension_numbers = #tpu.dot_dimension_numbers<[0], [0], [1], [1], [0, 1, 1, 1], [], []>, transpose_lhs_hint = false} : vector<32x32xf32>, vector<32x2048xf32>, vector<32x2048xf32> -> vector<32x2048xf32>
    %get3A_6 = arith.constant 0 : index
    %get3A_7 = arith.constant 0 : index
    %get3A_8 = vector.load %arg3[%get3A_6, %get3A_7] : memref<32x1xf32, #tpu.memory_space<vmem>>, vector<32x1xf32>
    %add3A = vector.broadcast %get3A_8 : vector<32x1xf32> to vector<32x2048xf32>
    %add3A_9 = arith.addf %dot_general3A_5, %add3A : vector<32x2048xf32>
    %get3A_10 = arith.constant 0 : index
    %get3A_11 = arith.constant 0 : index
    %get3A_12 = vector.load %arg4[%get3A_10, %get3A_11] : memref<32x32xf32, #tpu.memory_space<vmem>>, vector<32x32xf32>
    %dot_general3A_13 = arith.constant dense<0.000000e+00> : vector<32x2048xf32>
    %dot_general3A_14 = tpu.matmul %get3A_12, %add3A_9, %dot_general3A_13 {dimension_numbers = #tpu.dot_dimension_numbers<[0], [0], [1], [1], [0, 1, 1, 1], [], []>, transpose_lhs_hint = false} : vector<32x32xf32>, vector<32x2048xf32>, vector<32x2048xf32> -> vector<32x2048xf32>
    %get3A_15 = arith.constant 0 : index
    %get3A_16 = arith.constant 0 : index
    %get3A_17 = vector.load %arg5[%get3A_15, %get3A_16] : memref<32x1xf32, #tpu.memory_space<vmem>>, vector<32x1xf32>
    %add3A_18 = vector.broadcast %get3A_17 : vector<32x1xf32> to vector<32x2048xf32>
    %add3A_19 = arith.addf %dot_general3A_14, %add3A_18 : vector<32x2048xf32>
    %swap3A = arith.constant 0 : index
    %swap3A_20 = arith.constant 0 : index
    %swap3A_21 = vector.load %arg6[%swap3A, %swap3A_20] : memref<32x2048xf32, #tpu.memory_space<vmem>>, vector<32x2048xf32>
    tpu.vector_store %arg6[%swap3A, %swap3A_20], %add3A_19 {strides = array<i32>} : memref<32x2048xf32, #tpu.memory_space<vmem>>, vector<32x2048xf32>,
    return
  }
  func.func @transform_0(%arg0: i32) -> (i32, i32) {
    %c0_i32 = arith.constant 0 : i32
    %c0_i32_0 = arith.constant 0 : i32
    return %c0_i32, %arg0 : i32, i32
  }
  func.func @transform_1(%arg0: i32) -> (i32, i32) {
    %c0_i32 = arith.constant 0 : i32
    %c0_i32_0 = arith.constant 0 : i32
    %c0_i32_1 = arith.constant 0 : i32
    return %c0_i32, %c0_i32_0 : i32, i32
  }
  func.func @transform_2(%arg0: i32) -> (i32, i32) {
    %c0_i32 = arith.constant 0 : i32
    %c0_i32_0 = arith.constant 0 : i32
    %c0_i32_1 = arith.constant 0 : i32
    return %c0_i32, %c0_i32_0 : i32, i32
  }
  func.func @transform_3(%arg0: i32) -> (i32, i32) {
    %c0_i32 = arith.constant 0 : i32
    %c0_i32_0 = arith.constant 0 : i32
    %c0_i32_1 = arith.constant 0 : i32
    return %c0_i32, %c0_i32_0 : i32, i32
  }
  func.func @transform_4(%arg0: i32) -> (i32, i32) {
    %c0_i32 = arith.constant 0 : i32
    %c0_i32_0 = arith.constant 0 : i32
    %c0_i32_1 = arith.constant 0 : i32
    return %c0_i32, %c0_i32_0 : i32, i32
  }
  func.func @transform_5(%arg0: i32) -> (i32, i32) {
    %c0_i32 = arith.constant 0 : i32
    %c0_i32_0 = arith.constant 0 : i32
    return %c0_i32, %arg0 : i32, i32
  }
}

</mosaic_0001>

<sc_bundles>
// kernel: kernel.4.cloned.1.call-start
scs
__scs_entry_jumppad:
0x0: {  	(pc) =	sbr.rel $0x88, $3  }
0x1: {  	(tag) =	ssettag $0x0;
	lr =	simm.s32 $0x1  }
0x2: {  	[smem:$0x3F9B] =	sst lr;
	_ =	strace $0xD0000000  }
0x3: {  	_ = 	snop  }
0x4: {  	_ = 	snop  }
0x5: {  	_ = 	snop  }
0x6: {  	_ = 	snop  }
0x7: {  	_ = 	snop  }
__scs_overlays_trampoline_lowered:
0x8: {  	[smem:$0x3FAA] =	sst s0  }
0x9: {  	[smem:$0x3FAB] =	sst s1  }
0xa: {  	[smem:$0x3FAC] =	sst s2  }
0xb: {  	[smem:$0x3FAD] =	sst s3  }
0xc: {  	[smem:$0x3FAE] =	sst s4  }
0xd: {  	[smem:$0x3FAF] =	sst s5  }
0xe: {  	[smem:$0x3FB0] =	sst s6  }
0xf: {  	[smem:$0x3FB1] =	sst s7  }
0x10: {  	[smem:$0x3FB2] =	sst s8  }
0x11: {  	[smem:$0x3FB3] =	sst s9;
	s0 =	simm.s32 @!p0 $0x0  }
0x12: {  	s1 =	sld [smem:$0x3F99];
	s0 =	simm.s32 @p0 $0x1  }
0x13: {  	[smem:$0x3FB4] =	sst s0;
	s0 =	simm.s32 @!p1 $0x0  }
0x14: {  	s2 =	sld [smem:$0x3F98];
	s0 =	simm.s32 @p1 $0x1  }
0x15: {  	[smem:$0x3FB5] =	sst s0;
	s0 =	simm.s32 @!p2 $0x0  }
0x16: {  	s3 =	sld [smem:$0x3FDB];
	s0 =	simm.s32 @p2 $0x1  }
0x17: {  	s4 =	simm.s32 $0x1BF5;
	[smem:$0x3FB7] =	sst s0  }
0x18: {  	s0 =	sld [smem:$0x3F9A];
	_ =	swait.ge [sflag:s4], $0x0  }
0x19: {  	s7 =	sld [smem:$0x3F9B]  }
0x1a: {  	s8 =	sadd.s32 $0xFFFFE003, lr  }
0x1b: {  	s9 =	sadd.s32 $0xFFFFFEF7, lr;
	s5 =	simm.s32 $0xFFFFFFFF;
	p2 =	slt.u32 s8, $0xFFFFF086  }
0x1c: {  	p1 =	slt.u32 s9, $0xF7A;
	s5 =	simm.s32 @!p2 $0x0  }
0x1d: {  	s5 =	simm.s32 @p1 $0x1;
	p0 =	seq.s32 s7, s2  }
0x1e: {  	s7 =	smul.u32 @!p0 $0xF7A, s2;
	p2 =	seq.s32 @!p0 s5, $0x0  }
0x1f: {  	s9 =	smul.u32 $0xF7A, s1;
	s8 =	simm.s32 @!p0 $0x1BF5;
	p2 =	por !p2, p0  }
0x20: {  	[sflag:s8] =	ssyncset.s32 @!p0 $0xFFFFF086;
	s6 =	sadd.s32 @!p0 s3, s7;
	s7 =	simm.s32 @!p0 $0x108  }
0x21: {  	s3 =	sadd.s32 s3, s9;
	s6 =	sadd.s32 @!p0 $0x88, s6;
	s7 =	simm.s32 @p2 $0x1082  }
0x22: {  	[simem:s7], [sflag:s8] =	dma.local @!p0 [hbm:s6], $0xF7A  }
0x23: {  	s9 =	sor.u32 $0xD0000000, s2;
	s6 =	simm.s32 $0x108;
	_ =	swait.ge @!p0 [sflag:s8], $0x0  }
0x24: {  	s3 =	sadd.s32 $0x88, s3;
	s6 =	simm.s32 @!p1 $0x1082;
	[sflag:s4] =	ssyncset.s32 $0xFFFFF086  }
0x25: {  	[simem:s6], [sflag:s4] =	dma.local [hbm:s3], $0xF7A  }
0x26: {  	[smem:$0x3F9B] =	sst s1;
	(tag) =	ssettag s2;
	_ =	strace s9  }
0x27: {  	s1 =	sld [smem:$0x3FAB]  }
0x28: {  	s2 =	sld [smem:$0x3FAC]  }
0x29: {  	s4 =	sld [smem:$0x3FAE]  }
0x2a: {  	p0 =	seq.s32 s5, $0x0;
	s5 =	sld [smem:$0x3FAF]  }
0x2b: {  	s6 =	sld [smem:$0x3FB0]  }
0x2c: {  	s7 =	sld [smem:$0x3FB1]  }
0x2d: {  	s3 =	simm.s32 $0x108;
	s8 =	sld [smem:$0x3FB2]  }
0x2e: {  	s3 =	simm.s32 @!p0 $0x1082;
	s9 =	sld [smem:$0x3FB3]  }
0x2f: {  	lr =	sadd.s32 s0, s3;
	s0 =	sld [smem:$0x3FAA]  }
0x30: {  	s3 =	sld [smem:$0x3FAD]  }
0x31: {  	[smem:$0x3FB6] =	sst s10  }
0x32: {  	s10 =	sld [smem:$0x3FB4];
	_ =	sdelay $0x3  }
0x33: {  	p0 =	seq.s32 s10, $0x1;
	s10 =	sld [smem:$0x3FB6];
	_ =	sdelay $0x3  }
0x34: {  	[smem:$0x3FB6] =	sst s10  }
0x35: {  	s10 =	sld [smem:$0x3FB5];
	_ =	sdelay $0x3  }
0x36: {  	p1 =	seq.s32 s10, $0x1;
	s10 =	sld [smem:$0x3FB6];
	_ =	sdelay $0x3  }
0x37: {  	[smem:$0x3FB6] =	sst s10  }
0x38: {  	s10 =	sld [smem:$0x3FB7]  }
0x39: {  	_ = 	snop;
	(pc) =	sbr.ind lr, $3  }
0x3a: {  	_ = 	snop  }
0x3b: {  	_ = 	snop  }
0x3c: {  	p2 =	seq.s32 s10, $0x1;
	s10 =	sld [smem:$0x3FB6]  }
0x3d: {  	_ =	shalt  }
0x3e: {  	_ =	shalt  }
0x3f: {  	_ =	shalt  }
0x40: {  	_ =	shalt  }
0x41: {  	_ =	shalt  }
0x42: {  	_ =	shalt  }
0x43: {  	_ =	shalt  }
0x44: {  	_ =	shalt  }
0x45: {  	_ =	shalt  }
0x46: {  	_ =	shalt  }
0x47: {  	_ =	shalt  }
0x48: {  	_ =	shalt  }
0x49: {  	_ =	shalt  }
0x4a: {  	_ =	shalt  }
0x4b: {  	_ =	shalt  }
0x4c: {  	_ =	shalt  }
0x4d: {  	_ =	shalt  }
0x4e: {  	_ =	shalt  }
0x4f: {  	_ =	shalt  }
0x50: {  	_ =	shalt  }
0x51: {  	_ =	shalt  }
0x52: {  	_ =	shalt  }
0x53: {  	_ =	shalt  }
0x54: {  	_ =	shalt  }
0x55: {  	_ =	shalt  }
0x56: {  	_ =	shalt  }
0x57: {  	_ =	shalt  }
0x58: {  	_ =	shalt  }
0x59: {  	_ =	shalt  }
0x5a: {  	_ =	shalt  }
0x5b: {  	_ =	shalt  }
0x5c: {  	_ =	shalt  }
0x5d: {  	_ =	shalt  }
0x5e: {  	_ =	shalt  }
0x5f: {  	_ =	shalt  }
0x60: {  	_ =	shalt  }
0x61: {  	_ =	shalt  }
0x62: {  	_ =	shalt  }
0x63: {  	_ =	shalt  }
0x64: {  	_ =	shalt  }
0x65: {  	_ =	shalt  }
0x66: {  	_ =	shalt  }
0x67: {  	_ =	shalt  }
0x68: {  	_ =	shalt  }
0x69: {  	_ =	shalt  }
0x6a: {  	_ =	shalt  }
0x6b: {  	_ =	shalt  }
0x6c: {  	_ =	shalt  }
0x6d: {  	_ =	shalt  }
0x6e: {  	_ =	shalt  }
0x6f: {  	_ =	shalt  }
0x70: {  	_ =	shalt  }
0x71: {  	_ =	shalt  }
0x72: {  	_ =	shalt  }
0x73: {  	_ =	shalt  }
0x74: {  	_ =	shalt  }
0x75: {  	_ =	shalt  }
0x76: {  	_ =	shalt  }
0x77: {  	_ =	shalt  }
0x78: {  	_ =	shalt  }
0x79: {  	_ =	shalt  }
0x7a: {  	_ =	shalt  }
0x7b: {  	_ =	shalt  }
0x7c: {  	_ =	shalt  }
0x7d: {  	_ =	shalt  }
0x7e: {  	_ =	shalt  }
0x7f: {  	_ =	shalt  }
0x80: {  	_ =	shalt  }
0x81: {  	_ =	shalt  }
0x82: {  	_ =	shalt  }
0x83: {  	_ =	shalt  }
0x84: {  	_ =	shalt  }
0x85: {  	_ =	shalt  }
0x86: {  	_ =	shalt  }
0x87: {  	_ =	shalt  }
.Lfunc_end0:
.L_simem_size_0:
called_computation_lowered:
.L_overlay_start_0:
0x88: {  	s2 =	sld [smem:$0x3FD9]  }
0x89: {  	s3 =	sld [smem:$0x3FFE];
	_ =	sdelay $0x1  }
0x8a: {  	s1 =	srdreg.scid  }
0x8b: {  	s0 =	sand.u32 $0x1, s1  }
0x8c: {  	s18 =	sshll.u32 s0, $0xA;
	s2 =	sadd.s32 s3, s2  }
0x8d: {  	s2 =	sadd.s32 s2, s18  }
0x8e: {  	[smem:$0x3FC2] =	sst s2  }
0x8f: {  	_ = 	snop  }
0x90: {  	s2 =	sld [smem:$0x3FC9]  }
0x91: {  	s19 =	sld [smem:$0x3FC8]  }
0x92: {  	s4 =	sld [smem:$0x3FD0];
	(tm) =	ssettm $0x1  }
0x93: {  	s5 =	sld [smem:$0x3FFB];
	_ =	sdelay $0x3  }
0x94: {  	_ =	strace s5  }
0x95: {  	s5 =	sld [smem:$0x3FFC];
	_ =	sdelay $0x3  }
0x96: {  	_ =	strace s5  }
0x97: {  	s5 =	sld [smem:$0x3FFD];
	_ =	sdelay $0x3  }
0x98: {  	_ =	strace s5  }
0x99: {  	_ =	strace $0x8FFFFFFF  }
0x9a: {  	s20 =	sld [smem:$0x3FDB];
	_ =	sdelay $0x1  }
0x9b: {  	s6 =	simm.s32 $_scs_section_size  }
0x9c: {  	s7 =	simm.s32 $_size__tile_overlayer_lowered;
	s8 =	simm.s32 $_tile_overlayer_lowered  }
0x9d: {  	s23 =	simm.s32 $0x1BFF;
	s22 =	sshll.u32 s8, $0x1;
	s5 =	sadd.s32 s6, s20  }
0x9e: {  	s9 =	simm.s32 $0x0;
	s21 =	sshll.u32 s7, $0x1;
	s7 =	sadd.s32 s22, s5  }
0x9f: {  	[timem:s9], [sflag:s23] =	dma.local [hbm:s7], s21  }
0xa0: {  	_ =	swait.ge [sflag:s23], s21  }
0xa1: {  	s6 =	ssub.s32 $0x0, s21;
	[sflag:s23] =	ssyncset.done $0x0  }
0xa2: {  	[sflag:s23] =	ssyncadd.s32 s6;
	_ =	sdelay $0x1  }
0xa3: {  	s24 =	simm.s32 $0x1B8B  }
0xa4: {  	_ =	swait.ge [sflag:s24], $0x1  }
0xa5: {  	[sflag:s24] =	ssyncset.done $0x0  }
0xa6: {  	s25 =	simm.s32 $0x1B8E;
	[sflag:s24] =	ssyncadd.s32 $0xFFFFFFFF  }
0xa7: {  	s26 =	simm.s32 $execute0_lowered;
	[smem:$0x3FD2] =	sst s25  }
0xa8: {  	s6 =	sshll.u32 s26, $0x1;
	_ =	strace $0x80000046;
	[dreg:$0x1] =	wrdreg $0xFFFFFFFF  }
0xa9: {  	s28 =	simm.s32 $_size_execute0_lowered;
	s5 =	sadd.s32 s5, s6;
	[dreg:$0x0] =	wrdreg $0x0  }
0xaa: {  	s6 =	sshll.u32 s28, $0x1;
	[dreg:$0x2] =	wrdreg s5  }
0xab: {  	[dreg:$0x3] =	wrdreg s6  }
0xac: {  	[dreg:$0x4] =	wrdreg $0xC0  }
0xad: {  	_ =	task [dreg:s9], $0x5FFFF  }
0xae: {  	[dreg:$0x1] =	wrdreg $0xFFFFFFFF  }
0xaf: {  	[dreg:$0x0] =	wrdreg $0x60  }
0xb0: {  	[dreg:$0x2] =	wrdreg s2  }
0xb1: {  	[dreg:$0x3] =	wrdreg s19  }
0xb2: {  	[dreg:$0x4] =	wrdreg s4  }
0xb3: {  	[dreg:$0x5] =	wrdreg $0x9  }
0xb4: {  	_ =	task.clear_ibuf [dreg:s9], $0x6FFFF;
	_ =	strace $0x90000046  }
0xb5: {  	s29 =	simm.s32 $0x9;
	_ =	strace $0x80000048  }
0xb6: {  	_ =	swait.ge [sflag:s29], $0x1  }
0xb7: {  	[sflag:s29] =	ssyncadd.s32 $0xFFFFFFFF  }
0xb8: {  	_ =	strace $0x90000048  }
0xb9: {  	_ =	sfence  }
0xba: {  	s30 =	sld [smem:$0x0];
	_ =	sdelay $0x2  }
0xbb: {  	s31 =	sshll.u32 s1, $0xD;
	s1 =	sshrl.u32 s1, $0x2  }
0xbc: {  	s3 =	sand.u32 $0x4000, s31;
	s1 =	sadd.s32 s1, s30  }
0xbd: {  	s0 =	sor.u32 s3, s0;
	s1 =	sshll.u32 s1, $0x11  }
0xbe: {  	s0 =	sor.u32 s1, s0  }
0xbf: {  	s0 =	sadd.s32 $0x8F2B, s0  }
0xc0: {  	[sflag:s0] =	ssyncadd.remote.s32 $0x1  }
0xc1: {  	_ =	sfence.sel $0xFFFF  }
0xc2: {  	[dreg:$0x0] =	wrdreg $0xFFFFFFFF;
	(pc) =	sbr.abs _section_cstart, $3  }
0xc3: {  	[dreg:$0x1] =	wrdreg $0xFFFFFFFF  }
0xc4: {  	_ =	task.clear_ibuf [dreg:s9], $0x2FFFF;
	_ =	strace $0x9FFFFFFF  }
0xc5: {  	(tm) =	ssettm $0x7FFFFFFF  }
tec
execute0_lowered:
.L_overlay_start_1:
0x0: {  	(tag) =	ssettag $0x1  }
0x1: {  	v0 =	vlaneseq.u32;
	v1 =	vimm.s32 $0x1380  }
0x2: {  	vm0 =	vcmask $0x300;
	v2 =	vimm.s32 $0x3380;
	vm1 =	vcmask $0x704  }
0x3: {  	vm15 =	vcmask $0xB08;
	vm4 =	vcmask $0xF0C;
	vm5 =	vcmask $0x1310  }
0x4: {  	s1 =	rddreg [dreg:$0x0];
	vm6 =	vcmask $0x1714;
	vm7 =	vcmask $0x1B18;
	vm8 =	vcmask $0x1F1C  }
0x5: {  	s24 =	rddreg [dreg:$0x1];
	vm9 =	vcmask $0x2320;
	vm10 =	vcmask $0x2724;
	vm11 =	vcmask $0x2B28  }
0x6: {  	s0 =	rddreg [dreg:$0x2];
	s2 =	srdreg.scid;
	s3 =	simm.s32 $0x0;
	vm12 =	vcmask $0x2F2C;
	vm13 =	vcmask $0x3330;
	v1 =	vsel vm0, $0x0, v1  }
0x7: {  	s7 =	stileid.u32;
	s14 =	simm.s32 $0x1400;
	v0 =	vmul.u32 $0x80, v0;
	v2 =	vsel vm0, $0x2000, v2;
	[smem:$0x7FF] =	sst s3;
	v1 =	vsel vm1, $0x80, v1  }
0x8: {  	s15 =	simm.s32 $0x2400;
	vm14 =	vcmask $0x3734;
	v2 =	vsel vm1, $0x2080, v2;
	_ =	strace $0x80000047;
	[dreg:$0x5] =	wrdreg s14;
	v1 =	vsel vm15, $0x100, v1  }
0x9: {  	s16 =	simm.s32 $0x3400;
	s17 =	simm.s32 $0x4400;
	[dreg:$0x6] =	wrdreg s15;
	v2 =	vsel vm15, $0x2100, v2;
	vm15 =	vcmask $0x3B38;
	v5 =	vor.u32 $0x1800, v0  }
0xa: {  	s6 =	simm.s32 $0x1;
	s18 =	simm.s32 $0x5400;
	[dreg:$0x7] =	wrdreg s16;
	v6 =	vor.u32 $0x2000, v0;
	v7 =	vor.u32 $0x2800, v0;
	v8 =	vor.u32 $0x3000, v0  }
0xb: {  	s19 =	simm.s32 $0x6400;
	s20 =	simm.s32 $0x7400;
	[dreg:$0x8] =	wrdreg s17;
	v9 =	vor.u32 $0x3800, v0;
	v10 =	vor.u32 $0x4000, v0;
	v11 =	vor.u32 $0x4800, v0  }
0xc: {  	s21 =	simm.s32 $0x8400;
	s22 =	simm.s32 $0x9400;
	[dreg:$0x9] =	wrdreg s18;
	v12 =	vor.u32 $0x5000, v0;
	v13 =	vor.u32 $0x5800, v0;
	v14 =	vor.u32 $0x6000, v0  }
0xd: {  	s23 =	simm.s32 $0xA400;
	s25 =	simm.s32 $0xB400;
	[dreg:$0xa] =	wrdreg s19;
	v15 =	vor.u32 $0x6800, v0;
	v16 =	vor.u32 $0x7000, v0;
	v17 =	vor.u32 $0x7800, v0  }
0xe: {  	s26 =	simm.s32 $0xC400;
	s29 =	simm.s32 $0xD400;
	[dreg:$0xb] =	wrdreg s20;
	v18 =	vor.u32 $0x8000, v0;
	v19 =	vor.u32 $0x8800, v0;
	v20 =	vor.u32 $0x9000, v0  }
0xf: {  	s30 =	simm.s32 $0xE400;
	s9 =	simm.s32 $0x7A1400;
	[dreg:$0xc] =	wrdreg s21;
	v21 =	vor.u32 $0x9800, v0;
	v22 =	vor.u32 $0xA000, v0;
	v23 =	vor.u32 $0xA800, v0  }
0x10: {  	s31 =	simm.s32 $0xF400;
	s10 =	simm.s32 $0x400;
	[dreg:$0xd] =	wrdreg s22;
	v24 =	vor.u32 $0xB000, v0;
	v1 =	vsel vm4, $0x180, v1;
	v2 =	vsel vm4, $0x2180, v2  }
0x11: {  	s4 =	sand.u32 $0x1, s2;
	s12 =	sshll.u32 s7, $0x1;
	[dreg:$0xe] =	wrdreg s23;
	v25 =	vor.u32 $0xB800, v0;
	v1 =	vsel vm5, $0x200, v1;
	v2 =	vsel vm5, $0x2200, v2  }
0x12: {  	s11 =	simm.s32 $0x10400;
	s3 =	sor.u32 s4, s12;
	[dreg:$0xf] =	wrdreg s25;
	v26 =	vor.u32 $0xC000, v0;
	v1 =	vsel vm6, $0x280, v1;
	v2 =	vsel vm6, $0x2280, v2  }
0x13: {  	p1 =	seq.s32 s4, $0x1;
	[dreg:$0x10] =	wrdreg s26;
	p0 =	seq.s32 s3, $0x0;
	v27 =	vor.u32 $0xC800, v0;
	v1 =	vsel vm7, $0x300, v1;
	v2 =	vsel vm7, $0x2300, v2  }
0x14: {  	s2 =	ssub.s32 $0x2, s4;
	[dreg:$0x11] =	wrdreg s29;
	v28 =	vor.u32 $0xD000, v0;
	p0 =	por !p0, !p1;
	v1 =	vsel vm8, $0x380, v1;
	v2 =	vsel vm8, $0x2380, v2  }
0x15: {  	s13 =	sshll.u32 s4, $0x9;
	[dreg:$0x12] =	wrdreg s30;
	v29 =	vor.u32 $0xD800, v0;
	p0 =	por !p0, !p0;
	v1 =	vsel vm9, $0x1000, v1;
	v2 =	vsel vm9, $0x3000, v2  }
0x16: {  	[dreg:$0x13] =	wrdreg s31;
	s5 =	sshrl.u32 s2, $0x1;
	v30 =	vor.u32 $0xE000, v0;
	s6 =	simm.s32 @!p0 $0x0;
	v1 =	vsel vm10, $0x1080, v1;
	v2 =	vsel vm10, $0x3080, v2  }
0x17: {  	[dreg:$0x4] =	wrdreg s13;
	s3 =	sshll.u32 s3, $0x9;
	v31 =	vor.u32 $0xE800, v0;
	s6 =	ssub.s32 s7, s6;
	v1 =	vsel vm11, $0x1100, v1;
	v2 =	vsel vm11, $0x3100, v2  }
0x18: {  	v32 =	vor.u32 $0xF000, v0;
	s2 =	ssub.s32 s2, s5;
	s0 =	sadd.s32 s0, s3;
	s6 =	sshll.u32 s6, $0x7;
	v1 =	vsel vm12, $0x1180, v1;
	v2 =	vsel vm12, $0x3180, v2  }
0x19: {  	v33 =	vor.u32 $0xF800, v0;
	[dreg:$0x15] =	wrdreg s0;
	s28 =	smax.u32 s2, $0x1;
	s6 =	sand.u32 $0x1FFFFF80, s6;
	v1 =	vsel vm13, $0x1200, v1;
	v2 =	vsel vm13, $0x3200, v2  }
0x1a: {  	s4 =	simm.s32 $0x1;
	[dreg:$0x16] =	wrdreg s28;
	s1 =	sadd.s32 s1, s6;
	v3 =	vsel vm14, $0x1280, v1;
	v4 =	vsel vm14, $0x3280, v2;
	v1 =	vor.u32 $0x800, v0  }
0x1b: {  	s2 =	simm.s32 $0x2;
	[dreg:$0x14] =	wrdreg s1;
	s1 =	simm.s32 $0x0;
	v2 =	vsel vm15, $0x1300, v3;
	v3 =	vsel vm15, $0x3300, v4;
	v4 =	vor.u32 $0x1000, v0  }
.LBB2_1:
0x1c: {  	[dreg:$0x17] =	wrdreg s1  }
0x1d: {  	s0 =	simm.s32 $0x0;
	s31 =	rddreg [dreg:$0x14]  }
0x1e: {  	[tilespmem:s0], [sflag:$0x2] =	stream.linear.gather [hbm4b:s31+s0], $0x400, $0x38;
	[tilespmem:$0x14400] =	vst v63  }
0x1f: {  	_ =	swait.ge [sflag:s2], $0x400  }
0x20: {  	[sflag:s2] =	ssyncset.done $0x0  }
0x21: {  	s15 =	simm.s32 $0x0;
	s16 =	simm.s32 $0x0;
	[sflag:s2] =	ssyncadd.s32 $0xFFFFFC00  }
.LBB2_2:
0x22: {  	s1 =	sand.u32 $0x600, s15  }
0x23: {  	s0 =	rddreg [dreg:$0x4];
	s1 =	sshrl.u32 s1, $0x2  }
0x24: {  	s2 =	sand.u32 $0x70, s16;
	s0 =	sadd.s32 s1, s0  }
0x25: {  	s0 =	sadd.s32 s2, s0  }
0x26: {  	v34 =	vld [tilespmem:s0+$0x0];
	_ =	sdelay $0x4  }
0x27: {  	(v2sf) =	vpush v34, $0x0;
	_ =	sdelay $0xa  }
0x28: {  	(v2sf) =	vpush v34, $0x1;
	_ =	sdelay $0x3  }
0x29: {  	s17 =	spop (v2sf)  }
0x2a: {  	s5 =	sshra.s32 s17, $0x1F  }
0x2b: {  	s0 =	sshrl.u32 s5, $0x19  }
0x2c: {  	s0 =	sadd.s32 s0, s17  }
0x2d: {  	s6 =	sand.u32 $0xFFFFFF80, s0  }
0x2e: {  	p0 =	slt.s32 s17, $0x1;
	p1 =	sne.s32 s17, s6  }
0x2f: {  	p0 =	por !p0, !p1  }
0x30: {  	s1 =	simm.s32 $0x1;
	p0 =	por !p0, !p0  }
0x31: {  	(v2sf) =	vpush v34, $0x2;
	s0 =	sshrl.u32 s0, $0x7;
	s1 =	simm.s32 @!p0 $0x0  }
0x32: {  	s0 =	ssub.s32 s0, s1  }
0x33: {  	s0 =	sshll.u32 s0, $0x7  }
0x34: {  	s18 =	spop (v2sf);
	s0 =	sand.u32 $0x1FFFFF80, s0  }
0x35: {  	s7 =	sshra.s32 s18, $0x1F;
	s0 =	sadd.s32 s24, s0  }
0x36: {  	[tilespmem:s10], [sflag:$0x1] =	stream.strided.gather [hbm4b:s0+s10], $0x1000, s9, s10, $0x38;
	[tilespmem:$0x14400] =	vst v63  }
0x37: {  	s0 =	sshrl.u32 s7, $0x19  }
0x38: {  	s0 =	sadd.s32 s0, s18  }
0x39: {  	s8 =	sand.u32 $0xFFFFFF80, s0  }
0x3a: {  	p1 =	slt.s32 s18, $0x1;
	p2 =	sne.s32 s18, s8  }
0x3b: {  	p0 =	por !p1, !p2  }
0x3c: {  	s1 =	simm.s32 $0x1;
	p0 =	por !p0, !p0  }
0x3d: {  	(v2sf) =	vpush v34, $0x3;
	s0 =	sshrl.u32 s0, $0x7;
	s1 =	simm.s32 @!p0 $0x0  }
0x3e: {  	s0 =	ssub.s32 s0, s1  }
0x3f: {  	s0 =	sshll.u32 s0, $0x7  }
0x40: {  	s21 =	spop (v2sf);
	s0 =	sand.u32 $0x1FFFFF80, s0  }
0x41: {  	s12 =	rddreg [dreg:$0x5];
	s13 =	sshra.s32 s21, $0x1F;
	s0 =	sadd.s32 s24, s0  }
0x42: {  	[tilespmem:s12], [sflag:$0x1] =	stream.strided.gather [hbm4b:s0+s10], $0x1000, s9, s10, $0x38;
	[tilespmem:$0x14400] =	vst v63  }
0x43: {  	s0 =	sshrl.u32 s13, $0x19  }
0x44: {  	s0 =	sadd.s32 s0, s21  }
0x45: {  	s14 =	sand.u32 $0xFFFFFF80, s0  }
0x46: {  	p3 =	slt.s32 s21, $0x1;
	p4 =	sne.s32 s21, s14  }
0x47: {  	p0 =	por !p3, !p4  }
0x48: {  	s1 =	simm.s32 $0x1;
	p0 =	por !p0, !p0  }
0x49: {  	s0 =	sshrl.u32 s0, $0x7;
	s1 =	simm.s32 @!p0 $0x0  }
0x4a: {  	s0 =	ssub.s32 s0, s1  }
0x4b: {  	s0 =	sshll.u32 s0, $0x7  }
0x4c: {  	(v2sf) =	vpush v34, $0x4;
	s23 =	spop (v2sf);
	s0 =	sand.u32 $0x1FFFFF80, s0  }
0x4d: {  	s19 =	rddreg [dreg:$0x6];
	s20 =	sshra.s32 s23, $0x1F;
	s0 =	sadd.s32 s24, s0  }
0x4e: {  	[tilespmem:s19], [sflag:$0x1] =	stream.strided.gather [hbm4b:s0+s10], $0x1000, s9, s10, $0x38;
	[tilespmem:$0x14400] =	vst v63  }
0x4f: {  	s0 =	sshrl.u32 s20, $0x19  }
0x50: {  	s0 =	sadd.s32 s0, s23  }
0x51: {  	s22 =	sand.u32 $0xFFFFFF80, s0  }
0x52: {  	p5 =	slt.s32 s23, $0x1;
	p6 =	sne.s32 s23, s22  }
0x53: {  	p0 =	por !p5, !p6  }
0x54: {  	s1 =	simm.s32 $0x1;
	p0 =	por !p0, !p0  }
0x55: {  	s0 =	sshrl.u32 s0, $0x7;
	s1 =	simm.s32 @!p0 $0x0  }
0x56: {  	s0 =	ssub.s32 s0, s1  }
0x57: {  	(v2sf) =	vpush v34, $0x5;
	s0 =	sshll.u32 s0, $0x7  }
0x58: {  	s0 =	sand.u32 $0x1FFFFF80, s0  }
0x59: {  	s25 =	rddreg [dreg:$0x7];
	s0 =	sadd.s32 s24, s0  }
0x5a: {  	[tilespmem:s25], [sflag:$0x1] =	stream.strided.gather [hbm4b:s0+s10], $0x1000, s9, s10, $0x38;
	[tilespmem:$0x14400] =	vst v63  }
0x5b: {  	s25 =	spop (v2sf)  }
0x5c: {  	s26 =	sshra.s32 s25, $0x1F  }
0x5d: {  	s0 =	sshrl.u32 s26, $0x19  }
0x5e: {  	s0 =	sadd.s32 s0, s25  }
0x5f: {  	s28 =	sand.u32 $0xFFFFFF80, s0  }
0x60: {  	p1 =	slt.s32 s25, $0x1;
	p2 =	sne.s32 s25, s28  }
0x61: {  	p0 =	por !p1, !p2  }
0x62: {  	s1 =	simm.s32 $0x1;
	p0 =	por !p0, !p0  }
0x63: {  	(v2sf) =	vpush v34, $0x6;
	s0 =	sshrl.u32 s0, $0x7;
	s1 =	simm.s32 @!p0 $0x0  }
0x64: {  	s0 =	ssub.s32 s0, s1  }
0x65: {  	s0 =	sshll.u32 s0, $0x7  }
0x66: {  	[dreg:$0x1c] =	wrdreg s28;
	s28 =	spop (v2sf);
	s0 =	sand.u32 $0x1FFFFF80, s0  }
0x67: {  	s29 =	rddreg [dreg:$0x8];
	s30 =	sshra.s32 s28, $0x1F;
	s0 =	sadd.s32 s24, s0  }
0x68: {  	[tilespmem:s29], [sflag:$0x1] =	stream.strided.gather [hbm4b:s0+s10], $0x1000, s9, s10, $0x38;
	[tilespmem:$0x14400] =	vst v63  }
0x69: {  	s0 =	sshrl.u32 s30, $0x19  }
0x6a: {  	s0 =	sadd.s32 s0, s28  }
0x6b: {  	s31 =	sand.u32 $0xFFFFFF80, s0  }
0x6c: {  	p3 =	slt.s32 s28, $0x1;
	p4 =	sne.s32 s28, s31  }
0x6d: {  	p0 =	por !p3, !p4  }
0x6e: {  	s1 =	simm.s32 $0x1;
	p0 =	por !p0, !p0  }
0x6f: {  	(v2sf) =	vpush v34, $0x7;
	s0 =	sshrl.u32 s0, $0x7;
	s1 =	simm.s32 @!p0 $0x0  }
0x70: {  	s0 =	ssub.s32 s0, s1  }
0x71: {  	s0 =	sshll.u32 s0, $0x7  }
0x72: {  	s30 =	spop (v2sf);
	s0 =	sand.u32 $0x1FFFFF80, s0  }
0x73: {  	s2 =	rddreg [dreg:$0x9];
	s3 =	sshra.s32 s30, $0x1F;
	s0 =	sadd.s32 s24, s0  }
0x74: {  	[tilespmem:s2], [sflag:$0x1] =	stream.strided.gather [hbm4b:s0+s10], $0x1000, s9, s10, $0x38;
	[tilespmem:$0x14400] =	vst v63  }
0x75: {  	s0 =	sshrl.u32 s3, $0x19  }
0x76: {  	s0 =	sadd.s32 s0, s30  }
0x77: {  	s5 =	sand.u32 $0xFFFFFF80, s0  }
0x78: {  	p5 =	slt.s32 s30, $0x1;
	p6 =	sne.s32 s30, s5  }
0x79: {  	p0 =	por !p5, !p6  }
0x7a: {  	s1 =	simm.s32 $0x1;
	p0 =	por !p0, !p0  }
0x7b: {  	(v2sf) =	vpush v34, $0x8;
	s0 =	sshrl.u32 s0, $0x7;
	s1 =	simm.s32 @!p0 $0x0  }
0x7c: {  	s0 =	ssub.s32 s0, s1  }
0x7d: {  	s0 =	sshll.u32 s0, $0x7  }
0x7e: {  	[dreg:$0x18] =	wrdreg s6;
	s1 =	spop (v2sf);
	s0 =	sand.u32 $0x1FFFFF80, s0  }
0x7f: {  	s6 =	rddreg [dreg:$0xa];
	s7 =	sshra.s32 s1, $0x1F;
	s0 =	sadd.s32 s24, s0  }
0x80: {  	[tilespmem:s6], [sflag:$0x1] =	stream.strided.gather [hbm4b:s0+s10], $0x1000, s9, s10, $0x38;
	[tilespmem:$0x14400] =	vst v63  }
0x81: {  	s0 =	sshrl.u32 s7, $0x19  }
0x82: {  	s0 =	sadd.s32 s0, s1  }
0x83: {  	[dreg:$0x19] =	wrdreg s8;
	s8 =	sand.u32 $0xFFFFFF80, s0  }
0x84: {  	p1 =	slt.s32 s1, $0x1;
	p2 =	sne.s32 s1, s8  }
0x85: {  	p0 =	por !p1, !p2  }
0x86: {  	s2 =	simm.s32 $0x1;
	p0 =	por !p0, !p0  }
0x87: {  	(v2sf) =	vpush v34, $0x9;
	s0 =	sshrl.u32 s0, $0x7;
	s2 =	simm.s32 @!p0 $0x0  }
0x88: {  	s0 =	ssub.s32 s0, s2  }
0x89: {  	s0 =	sshll.u32 s0, $0x7  }
0x8a: {  	s3 =	spop (v2sf);
	s0 =	sand.u32 $0x1FFFFF80, s0  }
0x8b: {  	s12 =	rddreg [dreg:$0xb];
	s13 =	sshra.s32 s3, $0x1F;
	s0 =	sadd.s32 s24, s0  }
0x8c: {  	[tilespmem:s12], [sflag:$0x1] =	stream.strided.gather [hbm4b:s0+s10], $0x1000, s9, s10, $0x38;
	[tilespmem:$0x14400] =	vst v63  }
0x8d: {  	s0 =	sshrl.u32 s13, $0x19  }
0x8e: {  	s0 =	sadd.s32 s0, s3  }
0x8f: {  	[dreg:$0x1a] =	wrdreg s14;
	s14 =	sand.u32 $0xFFFFFF80, s0  }
0x90: {  	p3 =	slt.s32 s3, $0x1;
	p4 =	sne.s32 s3, s14  }
0x91: {  	p0 =	por !p3, !p4  }
0x92: {  	s2 =	simm.s32 $0x1;
	p0 =	por !p0, !p0  }
0x93: {  	(v2sf) =	vpush v34, $0xA;
	s0 =	sshrl.u32 s0, $0x7;
	s2 =	simm.s32 @!p0 $0x0  }
0x94: {  	s0 =	ssub.s32 s0, s2  }
0x95: {  	s0 =	sshll.u32 s0, $0x7  }
0x96: {  	s13 =	spop (v2sf);
	s0 =	sand.u32 $0x1FFFFF80, s0  }
0x97: {  	s19 =	rddreg [dreg:$0xc];
	s20 =	sshra.s32 s13, $0x1F;
	s0 =	sadd.s32 s24, s0  }
0x98: {  	[tilespmem:s19], [sflag:$0x1] =	stream.strided.gather [hbm4b:s0+s10], $0x1000, s9, s10, $0x38;
	[tilespmem:$0x14400] =	vst v63  }
0x99: {  	s0 =	sshrl.u32 s20, $0x19  }
0x9a: {  	s0 =	sadd.s32 s0, s13  }
0x9b: {  	[dreg:$0x1b] =	wrdreg s22;
	s22 =	sand.u32 $0xFFFFFF80, s0  }
0x9c: {  	p5 =	slt.s32 s13, $0x1;
	p6 =	sne.s32 s13, s22  }
0x9d: {  	p0 =	por !p5, !p6  }
0x9e: {  	s2 =	simm.s32 $0x1;
	p0 =	por !p0, !p0  }
0x9f: {  	(v2sf) =	vpush v34, $0xB;
	s0 =	sshrl.u32 s0, $0x7;
	s2 =	simm.s32 @!p0 $0x0  }
0xa0: {  	s0 =	ssub.s32 s0, s2  }
0xa1: {  	s0 =	sshll.u32 s0, $0x7  }
0xa2: {  	s6 =	spop (v2sf);
	s0 =	sand.u32 $0x1FFFFF80, s0  }
0xa3: {  	s26 =	rddreg [dreg:$0xd];
	s29 =	sshra.s32 s6, $0x1F;
	s0 =	sadd.s32 s24, s0  }
0xa4: {  	[tilespmem:s26], [sflag:$0x1] =	stream.strided.gather [hbm4b:s0+s10], $0x1000, s9, s10, $0x38;
	[tilespmem:$0x14400] =	vst v63  }
0xa5: {  	s0 =	sshrl.u32 s29, $0x19  }
0xa6: {  	s0 =	sadd.s32 s0, s6  }
0xa7: {  	s20 =	sand.u32 $0xFFFFFF80, s0  }
0xa8: {  	p1 =	slt.s32 s6, $0x1;
	p2 =	sne.s32 s6, s20  }
0xa9: {  	p0 =	por !p1, !p2  }
0xaa: {  	s2 =	simm.s32 $0x1;
	p0 =	por !p0, !p0  }
0xab: {  	s0 =	sshrl.u32 s0, $0x7;
	s2 =	simm.s32 @!p0 $0x0  }
0xac: {  	[dreg:$0x1d] =	wrdreg s31;
	s0 =	ssub.s32 s0, s2  }
0xad: {  	s31 =	rddreg [dreg:$0xe];
	s0 =	sshll.u32 s0, $0x7  }
0xae: {  	[dreg:$0x1f] =	wrdreg s8;
	(v2sf) =	vpush v34, $0xC;
	s8 =	spop (v2sf);
	s0 =	sand.u32 $0x1FFFFF80, s0  }
0xaf: {  	[dreg:$0x1e] =	wrdreg s5;
	s5 =	sshra.s32 s8, $0x1F;
	s0 =	sadd.s32 s24, s0  }
0xb0: {  	[tilespmem:s31], [sflag:$0x1] =	stream.strided.gather [hbm4b:s0+s10], $0x1000, s9, s10, $0x38;
	[tilespmem:$0x14400] =	vst v63  }
0xb1: {  	s0 =	sshrl.u32 s5, $0x19  }
0xb2: {  	s0 =	sadd.s32 s0, s8  }
0xb3: {  	[smem:$0x7FC] =	sst s14;
	s14 =	sand.u32 $0xFFFFFF80, s0  }
0xb4: {  	p3 =	slt.s32 s8, $0x1;
	p4 =	sne.s32 s8, s14  }
0xb5: {  	p0 =	por !p3, !p4  }
0xb6: {  	s2 =	simm.s32 $0x1;
	p0 =	por !p0, !p0  }
0xb7: {  	s0 =	sshrl.u32 s0, $0x7;
	s2 =	simm.s32 @!p0 $0x0  }
0xb8: {  	s0 =	ssub.s32 s0, s2  }
0xb9: {  	s0 =	sshll.u32 s0, $0x7  }
0xba: {  	s0 =	sand.u32 $0x1FFFFF80, s0  }
0xbb: {  	s7 =	rddreg [dreg:$0xf];
	s0 =	sadd.s32 s24, s0  }
0xbc: {  	(v2sf) =	vpush v34, $0xD;
	[tilespmem:s7], [sflag:$0x1] =	stream.strided.gather [hbm4b:s0+s10], $0x1000, s9, s10, $0x38;
	[tilespmem:$0x14400] =	vst v63  }
0xbd: {  	s0 =	spop (v2sf)  }
0xbe: {  	s12 =	sshra.s32 s0, $0x1F  }
0xbf: {  	s2 =	sshrl.u32 s12, $0x19  }
0xc0: {  	s2 =	sadd.s32 s2, s0  }
0xc1: {  	s12 =	sand.u32 $0xFFFFFF80, s2  }
0xc2: {  	p5 =	slt.s32 s0, $0x1;
	p6 =	sne.s32 s0, s12  }
0xc3: {  	p0 =	por !p5, !p6  }
0xc4: {  	s5 =	simm.s32 $0x1;
	p0 =	por !p0, !p0  }
0xc5: {  	s2 =	sshrl.u32 s2, $0x7;
	s5 =	simm.s32 @!p0 $0x0  }
0xc6: {  	s2 =	ssub.s32 s2, s5  }
0xc7: {  	(v2sf) =	vpush v34, $0xE;
	s2 =	sshll.u32 s2, $0x7  }
0xc8: {  	s2 =	sand.u32 $0x1FFFFF80, s2  }
0xc9: {  	s19 =	rddreg [dreg:$0x10];
	s2 =	sadd.s32 s24, s2  }
0xca: {  	[tilespmem:s19], [sflag:$0x1] =	stream.strided.gather [hbm4b:s2+s10], $0x1000, s9, s10, $0x38;
	[tilespmem:$0x14400] =	vst v63  }
0xcb: {  	s19 =	spop (v2sf)  }
0xcc: {  	[smem:$0x7FD] =	sst s22;
	s22 =	sshra.s32 s19, $0x1F  }
0xcd: {  	s2 =	sshrl.u32 s22, $0x19  }
0xce: {  	s2 =	sadd.s32 s2, s19  }
0xcf: {  	s7 =	sand.u32 $0xFFFFFF80, s2  }
0xd0: {  	p1 =	slt.s32 s19, $0x1;
	p2 =	sne.s32 s19, s7  }
0xd1: {  	p0 =	por !p1, !p2  }
0xd2: {  	s5 =	simm.s32 $0x1;
	p0 =	por !p0, !p0  }
0xd3: {  	(v2sf) =	vpush v34, $0xF;
	s2 =	sshrl.u32 s2, $0x7;
	s5 =	simm.s32 @!p0 $0x0  }
0xd4: {  	s2 =	ssub.s32 s2, s5  }
0xd5: {  	s2 =	sshll.u32 s2, $0x7  }
0xd6: {  	s22 =	spop (v2sf);
	s2 =	sand.u32 $0x1FFFFF80, s2  }
0xd7: {  	s26 =	rddreg [dreg:$0x11];
	s29 =	sshra.s32 s22, $0x1F;
	s2 =	sadd.s32 s24, s2  }
0xd8: {  	[tilespmem:s26], [sflag:$0x1] =	stream.strided.gather [hbm4b:s2+s10], $0x1000, s9, s10, $0x38;
	[tilespmem:$0x14400] =	vst v63  }
0xd9: {  	s2 =	sshrl.u32 s29, $0x19  }
0xda: {  	s2 =	sadd.s32 s2, s22  }
0xdb: {  	s5 =	sand.u32 $0xFFFFFF80, s2  }
0xdc: {  	p3 =	slt.s32 s22, $0x1;
	p4 =	sne.s32 s22, s5  }
0xdd: {  	p0 =	por !p3, !p4  }
0xde: {  	s26 =	simm.s32 $0x1;
	p0 =	por !p0, !p0  }
0xdf: {  	s2 =	sshrl.u32 s2, $0x7;
	s26 =	simm.s32 @!p0 $0x0  }
0xe0: {  	s2 =	ssub.s32 s2, s26  }
0xe1: {  	s2 =	sshll.u32 s2, $0x7  }
0xe2: {  	s26 =	spop (v2sf);
	s2 =	sand.u32 $0x1FFFFF80, s2  }
0xe3: {  	s31 =	rddreg [dreg:$0x12];
	s29 =	sshra.s32 s26, $0x1F;
	s2 =	sadd.s32 s24, s2  }
0xe4: {  	[tilespmem:s31], [sflag:$0x1] =	stream.strided.gather [hbm4b:s2+s10], $0x1000, s9, s10, $0x38;
	[tilespmem:$0x14400] =	vst v63  }
0xe5: {  	s2 =	sshrl.u32 s29, $0x19  }
0xe6: {  	s29 =	sadd.s32 s2, s26  }
0xe7: {  	s2 =	sand.u32 $0xFFFFFF80, s29  }
0xe8: {  	p5 =	slt.s32 s26, $0x1;
	p6 =	sne.s32 s26, s2  }
0xe9: {  	p0 =	por !p5, !p6  }
0xea: {  	s31 =	simm.s32 $0x1;
	p0 =	por !p0, !p0  }
0xeb: {  	s29 =	sshrl.u32 s29, $0x7;
	s31 =	simm.s32 @!p0 $0x0  }
0xec: {  	s29 =	ssub.s32 s29, s31  }
0xed: {  	s29 =	sshll.u32 s29, $0x7  }
0xee: {  	s29 =	sand.u32 $0x1FFFFF80, s29  }
0xef: {  	s31 =	rddreg [dreg:$0x13];
	s29 =	sadd.s32 s24, s29  }
0xf0: {  	[tilespmem:s31], [sflag:$0x1] =	stream.strided.gather [hbm4b:s29+s10], $0x1000, s9, s10, $0x38;
	[tilespmem:$0x14400] =	vst v63  }
0xf1: {  	_ =	swait.ge [sflag:s4], $0x1000  }
0xf2: {  	[sflag:s4] =	ssyncset.done $0x0  }
0xf3: {  	[sflag:s4] =	ssyncadd.s32 $0xFFFFF000  }
0xf4: {  	_ =	swait.ge [sflag:s4], $0x1000  }
0xf5: {  	[sflag:s4] =	ssyncset.done $0x0  }
0xf6: {  	[sflag:s4] =	ssyncadd.s32 $0xFFFFF000  }
0xf7: {  	_ =	swait.ge [sflag:s4], $0x1000  }
0xf8: {  	[sflag:s4] =	ssyncset.done $0x0  }
0xf9: {  	[sflag:s4] =	ssyncadd.s32 $0xFFFFF000  }
0xfa: {  	_ =	swait.ge [sflag:s4], $0x1000  }
0xfb: {  	[sflag:s4] =	ssyncset.done $0x0  }
0xfc: {  	[sflag:s4] =	ssyncadd.s32 $0xFFFFF000  }
0xfd: {  	_ =	swait.ge [sflag:s4], $0x1000  }
0xfe: {  	[sflag:s4] =	ssyncset.done $0x0  }
0xff: {  	[sflag:s4] =	ssyncadd.s32 $0xFFFFF000  }
0x100: {  	_ =	swait.ge [sflag:s4], $0x1000  }
0x101: {  	[sflag:s4] =	ssyncset.done $0x0  }
0x102: {  	[sflag:s4] =	ssyncadd.s32 $0xFFFFF000  }
0x103: {  	_ =	swait.ge [sflag:s4], $0x1000  }
0x104: {  	[sflag:s4] =	ssyncset.done $0x0  }
0x105: {  	[sflag:s4] =	ssyncadd.s32 $0xFFFFF000  }
0x106: {  	_ =	swait.ge [sflag:s4], $0x1000  }
0x107: {  	[sflag:s4] =	ssyncset.done $0x0  }
0x108: {  	[sflag:s4] =	ssyncadd.s32 $0xFFFFF000  }
0x109: {  	_ =	swait.ge [sflag:s4], $0x1000  }
0x10a: {  	[sflag:s4] =	ssyncset.done $0x0  }
0x10b: {  	[sflag:s4] =	ssyncadd.s32 $0xFFFFF000  }
0x10c: {  	_ =	swait.ge [sflag:s4], $0x1000  }
0x10d: {  	[sflag:s4] =	ssyncset.done $0x0  }
0x10e: {  	[sflag:s4] =	ssyncadd.s32 $0xFFFFF000  }
0x10f: {  	_ =	swait.ge [sflag:s4], $0x1000  }
0x110: {  	[sflag:s4] =	ssyncset.done $0x0  }
0x111: {  	[sflag:s4] =	ssyncadd.s32 $0xFFFFF000  }
0x112: {  	_ =	swait.ge [sflag:s4], $0x1000  }
0x113: {  	[sflag:s4] =	ssyncset.done $0x0  }
0x114: {  	[sflag:s4] =	ssyncadd.s32 $0xFFFFF000  }
0x115: {  	_ =	swait.ge [sflag:s4], $0x1000  }
0x116: {  	[sflag:s4] =	ssyncset.done $0x0  }
0x117: {  	[sflag:s4] =	ssyncadd.s32 $0xFFFFF000  }
0x118: {  	_ =	swait.ge [sflag:s4], $0x1000  }
0x119: {  	[sflag:s4] =	ssyncset.done $0x0  }
0x11a: {  	s31 =	rddreg [dreg:$0x18];
	[sflag:s4] =	ssyncadd.s32 $0xFFFFF000  }
0x11b: {  	s17 =	ssub.s32 s17, s31;
	_ =	swait.ge [sflag:s4], $0x1000  }
0x11c: {  	v47 =	vadd.s32 s17, v0;
	[sflag:s4] =	ssyncset.done $0x0  }
0x11d: {  	v36 =	vmov s16;
	v35 =	vadd.s32 s17, v1;
	[sflag:s4] =	ssyncadd.s32 $0xFFFFF000  }
0x11e: {  	v37 =	vshll.u32 v36, $0x3;
	_ =	swait.ge [sflag:s4], $0x1000  }
0x11f: {  	v36 =	vand.u32 $0x70, v36;
	v37 =	vand.u32 $0xC00, v37;
	[sflag:s4] =	ssyncset.done $0x0  }
0x120: {  	v36 =	vor.u32 v36, v37;
	[sflag:s4] =	ssyncadd.s32 $0xFFFFF000  }
0x121: {  	v37 =	vor.u32 v2, v36;
	s29 =	rddreg [dreg:$0x19];
	v34 =	vld.idx.msk [tilespmem:v47+s10+$0x0], $0xffff  }
0x122: {  	v36 =	vor.u32 v3, v36;
	s17 =	ssub.s32 s18, s29;
	v35 =	vld.idx.msk [tilespmem:v35+s10+$0x0], $0xffff  }
0x123: {  	s31 =	sadd.s32 $0x1, s16;
	v38 =	vadd.s32 s17, v4  }
0x124: {  	v39 =	vmov s31;
	v40 =	vadd.s32 s17, v5  }
0x125: {  	v41 =	vshll.u32 v39, $0x3  }
0x126: {  	v48 =	vand.u32 $0x71, v39;
	v49 =	vand.u32 $0xC00, v41;
	[tilespmem:v37+s11+$0x0] =	vst.idx.msk $0xffff, v34  }
0x127: {  	v34 =	vor.u32 v48, v49;
	[tilespmem:v36+s11+$0x0] =	vst.idx.msk $0xffff, v35  }
0x128: {  	s29 =	rddreg [dreg:$0x1a];
	v50 =	vor.u32 v2, v34;
	v35 =	vld.idx.msk [tilespmem:v38+s10+$0x0], $0xffff  }
0x129: {  	s17 =	ssub.s32 s21, s29;
	v34 =	vor.u32 v3, v34;
	v51 =	vld.idx.msk [tilespmem:v40+s10+$0x0], $0xffff  }
0x12a: {  	s31 =	sadd.s32 $0x2, s16;
	v52 =	vadd.s32 s17, v6  }
0x12b: {  	v53 =	vmov s31;
	v54 =	vadd.s32 s17, v7  }
0x12c: {  	v55 =	vshll.u32 v53, $0x3  }
0x12d: {  	v56 =	vand.u32 $0x72, v53;
	v57 =	vand.u32 $0xC00, v55;
	[tilespmem:v50+s11+$0x0] =	vst.idx.msk $0xffff, v35  }
0x12e: {  	v58 =	vor.u32 v56, v57;
	[tilespmem:v34+s11+$0x0] =	vst.idx.msk $0xffff, v51  }
0x12f: {  	s18 =	rddreg [dreg:$0x1b];
	v36 =	vor.u32 v2, v58;
	v59 =	vld.idx.msk [tilespmem:v52+s10+$0x0], $0xffff  }
0x130: {  	s17 =	ssub.s32 s23, s18;
	v34 =	vor.u32 v3, v58;
	v37 =	vld.idx.msk [tilespmem:v54+s10+$0x0], $0xffff  }
0x131: {  	s21 =	sadd.s32 $0x3, s16;
	v60 =	vadd.s32 s17, v8  }
0x132: {  	v61 =	vmov s21;
	v62 =	vadd.s32 s17, v9  }
0x133: {  	v63 =	vshll.u32 v61, $0x3  }
0x134: {  	v44 =	vand.u32 $0x73, v61;
	v45 =	vand.u32 $0xC00, v63;
	[tilespmem:v36+s11+$0x0] =	vst.idx.msk $0xffff, v59  }
0x135: {  	v46 =	vor.u32 v44, v45;
	[tilespmem:v34+s11+$0x0] =	vst.idx.msk $0xffff, v37  }
0x136: {  	s23 =	rddreg [dreg:$0x1c];
	v36 =	vor.u32 v2, v46;
	v47 =	vld.idx.msk [tilespmem:v60+s10+$0x0], $0xffff  }
0x137: {  	s17 =	ssub.s32 s25, s23;
	v34 =	vor.u32 v3, v46;
	v37 =	vld.idx.msk [tilespmem:v62+s10+$0x0], $0xffff  }
0x138: {  	s25 =	sadd.s32 $0x4, s16;
	v48 =	vadd.s32 s17, v10  }
0x139: {  	v49 =	vmov s25;
	v50 =	vadd.s32 s17, v11  }
0x13a: {  	v51 =	vshll.u32 v49, $0x3  }
0x13b: {  	v52 =	vand.u32 $0x74, v49;
	v53 =	vand.u32 $0xC00, v51;
	[tilespmem:v36+s11+$0x0] =	vst.idx.msk $0xffff, v47  }
0x13c: {  	v54 =	vor.u32 v52, v53;
	[tilespmem:v34+s11+$0x0] =	vst.idx.msk $0xffff, v37  }
0x13d: {  	s29 =	rddreg [dreg:$0x1d];
	v36 =	vor.u32 v2, v54;
	v55 =	vld.idx.msk [tilespmem:v48+s10+$0x0], $0xffff  }
0x13e: {  	s17 =	ssub.s32 s28, s29;
	v34 =	vor.u32 v3, v54;
	v37 =	vld.idx.msk [tilespmem:v50+s10+$0x0], $0xffff  }
0x13f: {  	s31 =	sadd.s32 $0x5, s16;
	v56 =	vadd.s32 s17, v12  }
0x140: {  	v57 =	vmov s31;
	v58 =	vadd.s32 s17, v13  }
0x141: {  	v59 =	vshll.u32 v57, $0x3  }
0x142: {  	v61 =	vand.u32 $0xC00, v59;
	v60 =	vand.u32 $0x75, v57;
	[tilespmem:v36+s11+$0x0] =	vst.idx.msk $0xffff, v55  }
0x143: {  	v62 =	vor.u32 v60, v61;
	[tilespmem:v34+s11+$0x0] =	vst.idx.msk $0xffff, v37  }
0x144: {  	s18 =	rddreg [dreg:$0x1e];
	v36 =	vor.u32 v2, v62;
	v63 =	vld.idx.msk [tilespmem:v56+s10+$0x0], $0xffff  }
0x145: {  	s17 =	ssub.s32 s30, s18;
	v34 =	vor.u32 v3, v62;
	v37 =	vld.idx.msk [tilespmem:v58+s10+$0x0], $0xffff  }
0x146: {  	s21 =	sadd.s32 $0x6, s16;
	v44 =	vadd.s32 s17, v14  }
0x147: {  	v45 =	vmov s21;
	v46 =	vadd.s32 s17, v15  }
0x148: {  	v47 =	vshll.u32 v45, $0x3  }
0x149: {  	v49 =	vand.u32 $0xC00, v47;
	v48 =	vand.u32 $0x76, v45;
	[tilespmem:v36+s11+$0x0] =	vst.idx.msk $0xffff, v63  }
0x14a: {  	v50 =	vor.u32 v48, v49;
	[tilespmem:v34+s11+$0x0] =	vst.idx.msk $0xffff, v37  }
0x14b: {  	s23 =	rddreg [dreg:$0x1f];
	v36 =	vor.u32 v2, v50;
	v51 =	vld.idx.msk [tilespmem:v44+s10+$0x0], $0xffff  }
0x14c: {  	s1 =	ssub.s32 s1, s23;
	v34 =	vor.u32 v3, v50;
	v37 =	vld.idx.msk [tilespmem:v46+s10+$0x0], $0xffff  }
0x14d: {  	s25 =	sadd.s32 $0x7, s16;
	v52 =	vadd.s32 s1, v16  }
0x14e: {  	v53 =	vmov s25;
	v54 =	vadd.s32 s1, v17  }
0x14f: {  	v55 =	vshll.u32 v53, $0x3  }
0x150: {  	s28 =	sld [smem:$0x7FC];
	v57 =	vand.u32 $0xC00, v55;
	v56 =	vand.u32 $0x77, v53;
	[tilespmem:v36+s11+$0x0] =	vst.idx.msk $0xffff, v51  }
0x151: {  	v58 =	vor.u32 v56, v57;
	[tilespmem:v34+s11+$0x0] =	vst.idx.msk $0xffff, v37  }
0x152: {  	v36 =	vor.u32 v2, v58;
	v59 =	vld.idx.msk [tilespmem:v52+s10+$0x0], $0xffff  }
0x153: {  	s1 =	ssub.s32 s3, s28;
	v34 =	vor.u32 v3, v58;
	v37 =	vld.idx.msk [tilespmem:v54+s10+$0x0], $0xffff  }
0x154: {  	s29 =	sadd.s32 $0x8, s16;
	v60 =	vadd.s32 s1, v18  }
0x155: {  	v61 =	vmov s29;
	v62 =	vadd.s32 s1, v19  }
0x156: {  	v63 =	vshll.u32 v61, $0x3  }
0x157: {  	s30 =	sld [smem:$0x7FD];
	v45 =	vand.u32 $0xC00, v63;
	v44 =	vand.u32 $0x78, v61;
	[tilespmem:v36+s11+$0x0] =	vst.idx.msk $0xffff, v59  }
0x158: {  	v46 =	vor.u32 v44, v45;
	[tilespmem:v34+s11+$0x0] =	vst.idx.msk $0xffff, v37  }
0x159: {  	v36 =	vor.u32 v2, v46;
	v47 =	vld.idx.msk [tilespmem:v60+s10+$0x0], $0xffff  }
0x15a: {  	s1 =	ssub.s32 s13, s30;
	v34 =	vor.u32 v3, v46;
	v37 =	vld.idx.msk [tilespmem:v62+s10+$0x0], $0xffff  }
0x15b: {  	s31 =	sadd.s32 $0x9, s16;
	v48 =	vadd.s32 s1, v20  }
0x15c: {  	v49 =	vmov s31;
	v50 =	vadd.s32 s1, v21  }
0x15d: {  	v51 =	vshll.u32 v49, $0x3  }
0x15e: {  	v53 =	vand.u32 $0xC00, v51;
	v52 =	vand.u32 $0x79, v49;
	[tilespmem:v36+s11+$0x0] =	vst.idx.msk $0xffff, v47  }
0x15f: {  	v54 =	vor.u32 v52, v53;
	[tilespmem:v34+s11+$0x0] =	vst.idx.msk $0xffff, v37  }
0x160: {  	v36 =	vor.u32 v2, v54;
	v55 =	vld.idx.msk [tilespmem:v48+s10+$0x0], $0xffff  }
0x161: {  	s13 =	ssub.s32 s6, s20;
	v34 =	vor.u32 v3, v54;
	v37 =	vld.idx.msk [tilespmem:v50+s10+$0x0], $0xffff  }
0x162: {  	s17 =	sadd.s32 $0xA, s16;
	v56 =	vadd.s32 s13, v22  }
0x163: {  	v57 =	vmov s17;
	v58 =	vadd.s32 s13, v23  }
0x164: {  	v59 =	vshll.u32 v57, $0x3  }
0x165: {  	v61 =	vand.u32 $0xC00, v59;
	v60 =	vand.u32 $0x7A, v57;
	[tilespmem:v36+s11+$0x0] =	vst.idx.msk $0xffff, v55  }
0x166: {  	v62 =	vor.u32 v60, v61;
	[tilespmem:v34+s11+$0x0] =	vst.idx.msk $0xffff, v37  }
0x167: {  	v36 =	vor.u32 v2, v62;
	v63 =	vld.idx.msk [tilespmem:v56+s10+$0x0], $0xffff  }
0x168: {  	s18 =	ssub.s32 s8, s14;
	v34 =	vor.u32 v3, v62;
	v37 =	vld.idx.msk [tilespmem:v58+s10+$0x0], $0xffff  }
0x169: {  	s20 =	sadd.s32 $0xB, s16;
	v44 =	vadd.s32 s18, v24  }
0x16a: {  	v45 =	vmov s20;
	v46 =	vadd.s32 s18, v25  }
0x16b: {  	v47 =	vshll.u32 v45, $0x3  }
0x16c: {  	v49 =	vand.u32 $0xC00, v47;
	v48 =	vand.u32 $0x7B, v45;
	[tilespmem:v36+s11+$0x0] =	vst.idx.msk $0xffff, v63  }
0x16d: {  	v50 =	vor.u32 v48, v49;
	[tilespmem:v34+s11+$0x0] =	vst.idx.msk $0xffff, v37  }
0x16e: {  	v36 =	vor.u32 v2, v50;
	v51 =	vld.idx.msk [tilespmem:v44+s10+$0x0], $0xffff  }
0x16f: {  	s0 =	ssub.s32 s0, s12;
	v34 =	vor.u32 v3, v50;
	v37 =	vld.idx.msk [tilespmem:v46+s10+$0x0], $0xffff  }
0x170: {  	s21 =	sadd.s32 $0xC, s16;
	v52 =	vadd.s32 s0, v26  }
0x171: {  	v53 =	vmov s21;
	v54 =	vadd.s32 s0, v27  }
0x172: {  	v55 =	vshll.u32 v53, $0x3  }
0x173: {  	v57 =	vand.u32 $0xC00, v55;
	v56 =	vand.u32 $0x7C, v53;
	[tilespmem:v36+s11+$0x0] =	vst.idx.msk $0xffff, v51  }
0x174: {  	v58 =	vor.u32 v56, v57;
	[tilespmem:v34+s11+$0x0] =	vst.idx.msk $0xffff, v37  }
0x175: {  	v36 =	vor.u32 v2, v58;
	v59 =	vld.idx.msk [tilespmem:v52+s10+$0x0], $0xffff  }
0x176: {  	s23 =	ssub.s32 s19, s7;
	v34 =	vor.u32 v3, v58;
	v37 =	vld.idx.msk [tilespmem:v54+s10+$0x0], $0xffff  }
0x177: {  	s25 =	sadd.s32 $0xD, s16;
	v60 =	vadd.s32 s23, v28  }
0x178: {  	v61 =	vmov s25;
	v62 =	vadd.s32 s23, v29  }
0x179: {  	v63 =	vshll.u32 v61, $0x3  }
0x17a: {  	v45 =	vand.u32 $0xC00, v63;
	v44 =	vand.u32 $0x7D, v61;
	[tilespmem:v36+s11+$0x0] =	vst.idx.msk $0xffff, v59  }
0x17b: {  	v46 =	vor.u32 v44, v45;
	[tilespmem:v34+s11+$0x0] =	vst.idx.msk $0xffff, v37  }
0x17c: {  	v36 =	vor.u32 v2, v46;
	v47 =	vld.idx.msk [tilespmem:v60+s10+$0x0], $0xffff  }
0x17d: {  	s28 =	ssub.s32 s22, s5;
	v34 =	vor.u32 v3, v46;
	v37 =	vld.idx.msk [tilespmem:v62+s10+$0x0], $0xffff  }
0x17e: {  	s29 =	sadd.s32 $0xE, s16;
	v48 =	vadd.s32 s28, v30  }
0x17f: {  	v49 =	vmov s29;
	v50 =	vadd.s32 s28, v31  }
0x180: {  	v51 =	vshll.u32 v49, $0x3  }
0x181: {  	v53 =	vand.u32 $0xC00, v51;
	v52 =	vand.u32 $0x7E, v49;
	[tilespmem:v36+s11+$0x0] =	vst.idx.msk $0xffff, v47  }
0x182: {  	v54 =	vor.u32 v52, v53;
	[tilespmem:v34+s11+$0x0] =	vst.idx.msk $0xffff, v37  }
0x183: {  	v36 =	vor.u32 v2, v54;
	v55 =	vld.idx.msk [tilespmem:v48+s10+$0x0], $0xffff  }
0x184: {  	s30 =	ssub.s32 s26, s2;
	v34 =	vor.u32 v3, v54;
	v37 =	vld.idx.msk [tilespmem:v50+s10+$0x0], $0xffff  }
0x185: {  	s31 =	sadd.s32 $0xF, s16;
	v56 =	vadd.s32 s30, v32  }
0x186: {  	v57 =	vmov s31;
	v58 =	vadd.s32 s30, v33  }
0x187: {  	v59 =	vshll.u32 v57, $0x3  }
0x188: {  	v61 =	vand.u32 $0xC00, v59;
	v60 =	vand.u32 $0x7F, v57;
	[tilespmem:v36+s11+$0x0] =	vst.idx.msk $0xffff, v55  }
0x189: {  	v62 =	vor.u32 v60, v61;
	[tilespmem:v34+s11+$0x0] =	vst.idx.msk $0xffff, v37  }
0x18a: {  	v36 =	vor.u32 v2, v62;
	v63 =	vld.idx.msk [tilespmem:v56+s10+$0x0], $0xffff  }
0x18b: {  	p0 =	sne.s32 s16, $0x1F0;
	v34 =	vor.u32 v3, v62;
	v37 =	vld.idx.msk [tilespmem:v58+s10+$0x0], $0xffff  }
.Ltmp0:
0x18c: {  	_ = 	snop;
	(pc) =	sbr.rel @p0 .LBB2_2-.Ltmp0, $3  }
0x18d: {  	_ =	sdelay $0x1  }
0x18e: {  	[tilespmem:v36+s11+$0x0] =	vst.idx.msk $0xffff, v63  }
0x18f: {  	s15 =	sadd.s32 $0x40, s15;
	s16 =	sadd.s32 $0x10, s16;
	[tilespmem:v34+s11+$0x0] =	vst.idx.msk $0xffff, v37  }
0x190: {  	s0 =	rddreg [dreg:$0x15];
	s1 =	simm.s32 $0x1000;
	s2 =	simm.s32 $0x20000  }
0x191: {  	[hbm4b:s0+s1] =	stream.strided.scatter [tilespmem:s11], [sflag:$0x2], $0x4000, s2, s1, $0x38;
	[tilespmem:$0x14400] =	vst v63  }
0x192: {  	s2 =	simm.s32 $0x2  }
0x193: {  	_ =	swait.ge [sflag:s2], $0x4000  }
0x194: {  	s30 =	rddreg [dreg:$0x17]  }
0x195: {  	s31 =	rddreg [dreg:$0x16];
	s1 =	sadd.s32 $0x1, s30  }
0x196: {  	p0 =	sne.s32 s1, s31  }
.Ltmp1:
0x197: {  	_ = 	snop;
	(pc) =	sbr.rel @p0 .LBB2_1-.Ltmp1, $3  }
0x198: {  	_ =	sdelay $0x1  }
0x199: {  	[sflag:s2] =	ssyncset.done $0x0  }
0x19a: {  	[sflag:s2] =	ssyncadd.s32 $0xFFFFC000  }
0x19b: {  	_ =	sfence.sel $0x180000  }
0x19c: {  	[bflag:$0x0] =	sbarrier.arrive $0xFFFF  }
0x19d: {  	_ =	strace $0x90000047  }
0x19e: {  	s0 =	stileid.u32;
	[bflag:$0x2] =	sbarrier.arrive $0xFFFF  }
0x19f: {  	p0 =	sne.s32 s0, $0x0;
	s0 =	rddreg [dreg:$0x3]  }
0x1a0: {  	s0 =	sadd.s32 @!p0 $0x100000, s0  }
0x1a1: {  	[sflag:s0] =	ssyncadd.tile.s32 @!p0 $0x1;
	_ =	shalt  }
.Lfunc_end2:
_tile_overlayer_lowered:
.L_overlay_start_2:
0x1a2: {  	(tag) =	ssettag $0x2  }
0x1a3: {  	s0 =	rddreg [dreg:$0x0];
	s2 =	stileid.u32  }
0x1a4: {  	s1 =	rddreg [dreg:$0x1];
	p0 =	sne.s32 s2, $0x0  }
0x1a5: {  	s3 =	rddreg [dreg:$0x2];
	[bflag:$0x3] =	sbarrier.arrive $0xFFFF;
	s2 =	simm.s32 @!p0 $0x1C02  }
0x1a6: {  	[timem:s3], [sflag:s2] =	dma.local @!p0 [hbm:s0], s1  }
0x1a7: {  	s0 =	simm.s32 @!p0 $0x2  }
0x1a8: {  	_ =	swait.ge @!p0 [sflag:s0], s1  }
0x1a9: {  	s1 =	ssub.s32 @!p0 $0x0, s1;
	[sflag:s0] =	ssyncset.done @!p0 $0x0  }
0x1aa: {  	[sflag:s0] =	ssyncadd.s32 @!p0 s1  }
0x1ab: {  	[bflag:$0x3] =	sbarrier.arrive $0xFFFF  }
0x1ac: {  	_ =	shalt  }

</sc_bundles>
